<compile_context>
chip_gen: v7x
topology: tpu7x:2x2x1
jax: 0.10.2.dev20260603
libtpu: 0.0.44.dev20260713+nightly
codegen_flags: <defaults>
</compile_context>

<pallas_src>
import functools

import jax
import jax.numpy as jnp
from jax import lax
from jax.experimental import pallas as pl
from jax.experimental.pallas import tpu as pltpu
from jax.experimental.pallas import tpu_sc as plsc

M = 4


@functools.cache
def _build_gather(V, D, NI, NJ):
    mesh = plsc.VectorSubcoreMesh(core_axis_name="c", subcore_axis_name="s")
    NC, NS = mesh.num_cores, mesh.num_subcores
    NW = NC * NS
    rows_per_w = NI // NW
    n_steps = rows_per_w // M
    splits = []
    o = 0
    while o < NJ:
        l = min(128, NJ - o)
        splits.append((o, l))
        o += l
    assert NI % NW == 0 and rows_per_w % M == 0 and n_steps >= 4

    @functools.partial(
        pl.kernel,
        out_type=jax.ShapeDtypeStruct((NI, NJ, D), jnp.float32),
        mesh=mesh,
        scratch_types=[
            pltpu.VMEM((2, M, NJ), jnp.int32),
            pltpu.VMEM((2, M, NJ, D), jnp.float32),
            pltpu.SemaphoreType.DMA,
            pltpu.SemaphoreType.DMA,
            pltpu.SemaphoreType.DMA,
            pltpu.SemaphoreType.DMA,
        ],
        compiler_params=pltpu.CompilerParams(use_tc_tiling_on_sc=False),
    )
    def gather_kernel(x_hbm, table_hbm, out_hbm, idx_v, rows_v,
                      gsem0, gsem1, osem0, osem1):
        gsem = (gsem0, gsem1)
        osem = (osem0, osem1)
        wid = lax.axis_index("s") * NC + lax.axis_index("c")
        base_i = wid * rows_per_w

        def load_and_fire(b, c):
            i0 = base_i + c * M
            pltpu.sync_copy(x_hbm.at[pl.ds(i0, M)], idx_v.at[b])
            for m in range(M):
                for o, l in splits:
                    pltpu.async_copy(
                        table_hbm.at[idx_v.at[b, m, pl.ds(o, l)]],
                        rows_v.at[b, m, pl.ds(o, l)],
                        gsem[b],
                    )

        def wait_gathers(b):
            pltpu.make_async_copy(
                out_hbm.at[pl.ds(0, M)], rows_v.at[b], gsem[b]
            ).wait()

        def fire_write(b, c):
            i0 = base_i + c * M
            pltpu.async_copy(
                rows_v.at[b], out_hbm.at[pl.ds(i0, M)], osem[b]
            )

        def wait_write(b):
            pltpu.make_async_copy(
                out_hbm.at[pl.ds(0, M)], rows_v.at[b], osem[b]
            ).wait()

        load_and_fire(0, 0)
        load_and_fire(1, 1)

        def body(t, carry):
            c = 2 * t
            wait_gathers(0)
            fire_write(0, c)
            wait_gathers(1)
            fire_write(1, c + 1)
            wait_write(0)
            load_and_fire(0, c + 2)
            wait_write(1)
            load_and_fire(1, c + 3)
            return carry

        n_pairs = (n_steps - 2) // 2
        lax.fori_loop(0, n_pairs, body, 0)
        n2 = 2 * n_pairs

        if n_steps % 2 == 0:
            wait_gathers(0)
            fire_write(0, n2)
            wait_gathers(1)
            fire_write(1, n2 + 1)
            wait_write(0)
            wait_write(1)
        else:
            wait_gathers(0)
            fire_write(0, n2)
            wait_gathers(1)
            fire_write(1, n2 + 1)
            wait_write(0)
            load_and_fire(0, n2 + 2)
            wait_gathers(0)
            fire_write(0, n2 + 2)
            wait_write(1)
            wait_write(0)

    return gather_kernel


def kernel(x, embedding):
    V, D = embedding.shape
    NI, NJ = x.shape
    t128 = lax.optimization_barrier(embedding.reshape(V * D // 128, 128))
    table = t128.reshape(V, D)
    return _build_gather(V, D, NI, NJ)(x.astype(jnp.int32), table)

# --- scband reference (transcript-rebuilt; emitter-appended) ---
"""Pipeline reference for scband-embed-44710609551918 (READ-ONLY COPY).

The authoritative reference and input builder live on the scoring server;
editing this copy changes nothing except your own understanding.
"""

import jax, jax.numpy as jnp
import numpy as np

D_VOCAB = 1000000
D_MODEL = 64

def setup_inputs(seed: int = 0) -> dict:
    key = jax.random.key(seed)
    k_idx, k_emb = jax.random.split(key)
    x = jax.random.randint(k_idx, (4096, 200), 0, D_VOCAB, dtype=jnp.int64 if jax.config.jax_enable_x64 else jnp.int32)
    embedding = jax.random.normal(k_emb, (D_VOCAB, D_MODEL), dtype=jnp.float32) * (1.0 / np.sqrt(D_MODEL))
    return {"x": x, "embedding": embedding}

def reference(x, embedding):
    # Faithful to flax nn.Embed __call__: gather rows of the embedding table.
    return jnp.take(embedding, x, axis=0)

if __name__ == "__main__":
    import jax
    _d = setup_inputs()
    print(jax.jit(kernel)(*tuple(_d.values())))

</pallas_src>

<mosaic_0001>
#map = affine_map<(d0, d1) -> (0, 0)>
#map1 = affine_map<(d0, d1) -> (0, 0, 0)>
module attributes {stable_mosaic.version = 14 : i64} {
  func.func @gather_kernel(%arg0: i32, %arg1: i32, %arg2: memref<4096x200xi32, #tpu.memory_space<hbm>>, %arg3: memref<1000000x64xf32, #tpu.memory_space<hbm>>, %arg4: memref<4096x200x64xf32, #tpu.memory_space<hbm>>, %arg5: memref<2x4x200xi32, #tpu.memory_space<vmem>>, %arg6: memref<2x4x200x64xf32, #tpu.memory_space<vmem>>, %arg7: memref<!tpu.dma_semaphore, #tpu.memory_space<semaphore_mem>>, %arg8: memref<!tpu.dma_semaphore, #tpu.memory_space<semaphore_mem>>, %arg9: memref<!tpu.dma_semaphore, #tpu.memory_space<semaphore_mem>>, %arg10: memref<!tpu.dma_semaphore, #tpu.memory_space<semaphore_mem>>) attributes {dimension_semantics = [#tpu.dimension_semantics<core_parallel>, #tpu.dimension_semantics<subcore_parallel>], iteration_bounds = array<i64: 2, 16>, scalar_prefetch = 0 : i64, scratch_operands = 6 : i64, tpu.core_type = #tpu.core_type<sc_vector_subcore>, window_params = [{transform_indices = #map}, {transform_indices = #map}, {transform_indices = #map1}]} {
    %mul3A = arith.constant 2 : i32
    %mul3A_0 = arith.muli %arg1, %mul3A : i32
    %add3A = arith.addi %mul3A_0, %arg0 : i32
    %mul3A_1 = arith.constant 128 : i32
    %mul3A_2 = arith.muli %add3A, %mul3A_1 : i32
    %add3A_3 = arith.constant 0 : i32
    %add3A_4 = arith.addi %mul3A_2, %add3A_3 : i32
    %run_scoped3A = arith.constant 0 : i32
    "tpu.region"() ({
      %run_scoped3A_349 = tpu.sem_alloc : memref<!tpu.dma_semaphore, #tpu.memory_space<semaphore_mem>>
      %dma_start3A_350 = arith.constant 0 : i32
      %dma_start3A_351 = arith.constant 0 : i32
      %dma_start3A_352 = tpu.memref_slice %arg5[%run_scoped3A, %dma_start3A_350, %dma_start3A_351] : memref<2x4x200xi32, #tpu.memory_space<vmem>> -> memref<1x4x200xi32, #tpu.memory_space<vmem>>
      %dma_start3A_353 = tpu.memref_squeeze %dma_start3A_352 : memref<1x4x200xi32, #tpu.memory_space<vmem>> -> memref<4x200xi32, #tpu.memory_space<vmem>>
      %dma_start3A_354 = arith.constant 0 : i32
      %dma_start3A_355 = tpu.memref_slice %arg2[%add3A_4, %dma_start3A_354] : memref<4096x200xi32, #tpu.memory_space<hbm>> -> memref<4x200xi32, #tpu.memory_space<hbm>>
      %dma_start3A_356 = arith.constant 0 : i32
      %dma_start3A_357 = arith.constant 0 : i32
      %dma_start3A_358 = tpu.memref_slice %arg5[%run_scoped3A, %dma_start3A_356, %dma_start3A_357] : memref<2x4x200xi32, #tpu.memory_space<vmem>> -> memref<1x4x200xi32, #tpu.memory_space<vmem>>
      %dma_start3A_359 = tpu.memref_squeeze %dma_start3A_358 : memref<1x4x200xi32, #tpu.memory_space<vmem>> -> memref<4x200xi32, #tpu.memory_space<vmem>>
      %dma_start3A_360 = arith.constant 0 : i32
      %dma_start3A_361 = tpu.memref_slice %arg2[%add3A_4, %dma_start3A_360] : memref<4096x200xi32, #tpu.memory_space<hbm>> -> memref<4x200xi32, #tpu.memory_space<hbm>>
      tpu.enqueue_dma source(%dma_start3A_361 : memref<4x200xi32, #tpu.memory_space<hbm>>) target(%dma_start3A_359 : memref<4x200xi32, #tpu.memory_space<vmem>>) target_semaphore(%run_scoped3A_349 : memref<!tpu.dma_semaphore, #tpu.memory_space<semaphore_mem>>)
      %dma_wait3A_362 = arith.constant 0 : i32
      %dma_wait3A_363 = arith.constant 0 : i32
      %dma_wait3A_364 = tpu.memref_slice %arg5[%run_scoped3A, %dma_wait3A_362, %dma_wait3A_363] : memref<2x4x200xi32, #tpu.memory_space<vmem>> -> memref<1x4x200xi32, #tpu.memory_space<vmem>>
      %dma_wait3A_365 = tpu.memref_squeeze %dma_wait3A_364 : memref<1x4x200xi32, #tpu.memory_space<vmem>> -> memref<4x200xi32, #tpu.memory_space<vmem>>
      %dma_wait3A_366 = arith.constant 0 : i32
      %dma_wait3A_367 = tpu.memref_slice %arg2[%add3A_4, %dma_wait3A_366] : memref<4096x200xi32, #tpu.memory_space<hbm>> -> memref<4x200xi32, #tpu.memory_space<hbm>>
      %dma_wait3A_368 = arith.constant 0 : i32
      %dma_wait3A_369 = arith.constant 0 : i32
      %dma_wait3A_370 = tpu.memref_slice %arg5[%run_scoped3A, %dma_wait3A_368, %dma_wait3A_369] : memref<2x4x200xi32, #tpu.memory_space<vmem>> -> memref<1x4x200xi32, #tpu.memory_space<vmem>>
      %dma_wait3A_371 = tpu.memref_squeeze %dma_wait3A_370 : memref<1x4x200xi32, #tpu.memory_space<vmem>> -> memref<4x200xi32, #tpu.memory_space<vmem>>
      %dma_wait3A_372 = arith.constant 0 : i32
      %dma_wait3A_373 = tpu.memref_slice %arg2[%add3A_4, %dma_wait3A_372] : memref<4096x200xi32, #tpu.memory_space<hbm>> -> memref<4x200xi32, #tpu.memory_space<hbm>>
      tpu.wait_dma2 semaphore(%run_scoped3A_349 : memref<!tpu.dma_semaphore, #tpu.memory_space<semaphore_mem>>) src(%dma_wait3A_373 : memref<4x200xi32, #tpu.memory_space<hbm>>) dst(%dma_wait3A_371 : memref<4x200xi32, #tpu.memory_space<vmem>>)
      tpu.yield
    }) : () -> ()
    %dma_start3A = arith.constant 0 : i32
    %dma_start3A_5 = arith.constant 0 : i32
    %dma_start3A_6 = arith.constant 0 : i32
    %dma_start3A_7 = arith.constant 0 : i32
    %dma_start3A_8 = arith.constant 0 : i32
    %dma_start3A_9 = arith.constant 0 : i32
    %dma_start3A_10 = tpu.memref_slice %arg6[%dma_start3A_6, %dma_start3A_7, %dma_start3A_8, %dma_start3A_9] : memref<2x4x200x64xf32, #tpu.memory_space<vmem>> -> memref<1x1x128x64xf32, #tpu.memory_space<vmem>>
    %dma_start3A_11 = tpu.memref_squeeze %dma_start3A_10 : memref<1x1x128x64xf32, #tpu.memory_space<vmem>> -> memref<128x64xf32, #tpu.memory_space<vmem>>
    %dma_start3A_12 = arith.constant 0 : i32
    %dma_start3A_13 = tpu.memref_slice %arg5[%dma_start3A, %dma_start3A_5, %dma_start3A_12] : memref<2x4x200xi32, #tpu.memory_space<vmem>> -> memref<1x1x128xi32, #tpu.memory_space<vmem>>
    %dma_start3A_14 = tpu.memref_squeeze %dma_start3A_13 : memref<1x1x128xi32, #tpu.memory_space<vmem>> -> memref<128xi32, #tpu.memory_space<vmem>>
    %dma_start3A_15 = arith.constant 0 : i32
    %dma_start3A_16 = arith.constant 0 : i32
    %dma_start3A_17 = tpu.memref_slice %arg3[%dma_start3A_15, %dma_start3A_16] : memref<1000000x64xf32, #tpu.memory_space<hbm>> -> memref<1000000x64xf32, #tpu.memory_space<hbm>>
    tpu.enqueue_indirect_dma source(%dma_start3A_17 : memref<1000000x64xf32, #tpu.memory_space<hbm>>) target(%dma_start3A_11 : memref<128x64xf32, #tpu.memory_space<vmem>>) offsets(%dma_start3A_14 : memref<128xi32, #tpu.memory_space<vmem>>) semaphore(%arg7 : memref<!tpu.dma_semaphore, #tpu.memory_space<semaphore_mem>>)
    %dma_start3A_18 = arith.constant 0 : i32
    %dma_start3A_19 = arith.constant 0 : i32
    %dma_start3A_20 = arith.constant 0 : i32
    %dma_start3A_21 = arith.constant 0 : i32
    %dma_start3A_22 = arith.constant 128 : i32
    %dma_start3A_23 = arith.constant 0 : i32
    %dma_start3A_24 = tpu.memref_slice %arg6[%dma_start3A_20, %dma_start3A_21, %dma_start3A_22, %dma_start3A_23] : memref<2x4x200x64xf32, #tpu.memory_space<vmem>> -> memref<1x1x72x64xf32, #tpu.memory_space<vmem>>
    %dma_start3A_25 = tpu.memref_squeeze %dma_start3A_24 : memref<1x1x72x64xf32, #tpu.memory_space<vmem>> -> memref<72x64xf32, #tpu.memory_space<vmem>>
    %dma_start3A_26 = arith.constant 128 : i32
    %dma_start3A_27 = tpu.memref_slice %arg5[%dma_start3A_18, %dma_start3A_19, %dma_start3A_26] : memref<2x4x200xi32, #tpu.memory_space<vmem>> -> memref<1x1x72xi32, #tpu.memory_space<vmem>>
    %dma_start3A_28 = tpu.memref_squeeze %dma_start3A_27 : memref<1x1x72xi32, #tpu.memory_space<vmem>> -> memref<72xi32, #tpu.memory_space<vmem>>
    %dma_start3A_29 = arith.constant 0 : i32
    %dma_start3A_30 = arith.constant 0 : i32
    %dma_start3A_31 = tpu.memref_slice %arg3[%dma_start3A_29, %dma_start3A_30] : memref<1000000x64xf32, #tpu.memory_space<hbm>> -> memref<1000000x64xf32, #tpu.memory_space<hbm>>
    tpu.enqueue_indirect_dma source(%dma_start3A_31 : memref<1000000x64xf32, #tpu.memory_space<hbm>>) target(%dma_start3A_25 : memref<72x64xf32, #tpu.memory_space<vmem>>) offsets(%dma_start3A_28 : memref<72xi32, #tpu.memory_space<vmem>>) semaphore(%arg7 : memref<!tpu.dma_semaphore, #tpu.memory_space<semaphore_mem>>)
    %dma_start3A_32 = arith.constant 0 : i32
    %dma_start3A_33 = arith.constant 1 : i32
    %dma_start3A_34 = arith.constant 0 : i32
    %dma_start3A_35 = arith.constant 1 : i32
    %dma_start3A_36 = arith.constant 0 : i32
    %dma_start3A_37 = arith.constant 0 : i32
    %dma_start3A_38 = tpu.memref_slice %arg6[%dma_start3A_34, %dma_start3A_35, %dma_start3A_36, %dma_start3A_37] : memref<2x4x200x64xf32, #tpu.memory_space<vmem>> -> memref<1x1x128x64xf32, #tpu.memory_space<vmem>>
    %dma_start3A_39 = tpu.memref_squeeze %dma_start3A_38 : memref<1x1x128x64xf32, #tpu.memory_space<vmem>> -> memref<128x64xf32, #tpu.memory_space<vmem>>
    %dma_start3A_40 = arith.constant 0 : i32
    %dma_start3A_41 = tpu.memref_slice %arg5[%dma_start3A_32, %dma_start3A_33, %dma_start3A_40] : memref<2x4x200xi32, #tpu.memory_space<vmem>> -> memref<1x1x128xi32, #tpu.memory_space<vmem>>
    %dma_start3A_42 = tpu.memref_squeeze %dma_start3A_41 : memref<1x1x128xi32, #tpu.memory_space<vmem>> -> memref<128xi32, #tpu.memory_space<vmem>>
    %dma_start3A_43 = arith.constant 0 : i32
    %dma_start3A_44 = arith.constant 0 : i32
    %dma_start3A_45 = tpu.memref_slice %arg3[%dma_start3A_43, %dma_start3A_44] : memref<1000000x64xf32, #tpu.memory_space<hbm>> -> memref<1000000x64xf32, #tpu.memory_space<hbm>>
    tpu.enqueue_indirect_dma source(%dma_start3A_45 : memref<1000000x64xf32, #tpu.memory_space<hbm>>) target(%dma_start3A_39 : memref<128x64xf32, #tpu.memory_space<vmem>>) offsets(%dma_start3A_42 : memref<128xi32, #tpu.memory_space<vmem>>) semaphore(%arg7 : memref<!tpu.dma_semaphore, #tpu.memory_space<semaphore_mem>>)
    %dma_start3A_46 = arith.constant 0 : i32
    %dma_start3A_47 = arith.constant 1 : i32
    %dma_start3A_48 = arith.constant 0 : i32
    %dma_start3A_49 = arith.constant 1 : i32
    %dma_start3A_50 = arith.constant 128 : i32
    %dma_start3A_51 = arith.constant 0 : i32
    %dma_start3A_52 = tpu.memref_slice %arg6[%dma_start3A_48, %dma_start3A_49, %dma_start3A_50, %dma_start3A_51] : memref<2x4x200x64xf32, #tpu.memory_space<vmem>> -> memref<1x1x72x64xf32, #tpu.memory_space<vmem>>
    %dma_start3A_53 = tpu.memref_squeeze %dma_start3A_52 : memref<1x1x72x64xf32, #tpu.memory_space<vmem>> -> memref<72x64xf32, #tpu.memory_space<vmem>>
    %dma_start3A_54 = arith.constant 128 : i32
    %dma_start3A_55 = tpu.memref_slice %arg5[%dma_start3A_46, %dma_start3A_47, %dma_start3A_54] : memref<2x4x200xi32, #tpu.memory_space<vmem>> -> memref<1x1x72xi32, #tpu.memory_space<vmem>>
    %dma_start3A_56 = tpu.memref_squeeze %dma_start3A_55 : memref<1x1x72xi32, #tpu.memory_space<vmem>> -> memref<72xi32, #tpu.memory_space<vmem>>
    %dma_start3A_57 = arith.constant 0 : i32
    %dma_start3A_58 = arith.constant 0 : i32
    %dma_start3A_59 = tpu.memref_slice %arg3[%dma_start3A_57, %dma_start3A_58] : memref<1000000x64xf32, #tpu.memory_space<hbm>> -> memref<1000000x64xf32, #tpu.memory_space<hbm>>
    tpu.enqueue_indirect_dma source(%dma_start3A_59 : memref<1000000x64xf32, #tpu.memory_space<hbm>>) target(%dma_start3A_53 : memref<72x64xf32, #tpu.memory_space<vmem>>) offsets(%dma_start3A_56 : memref<72xi32, #tpu.memory_space<vmem>>) semaphore(%arg7 : memref<!tpu.dma_semaphore, #tpu.memory_space<semaphore_mem>>)
    %dma_start3A_60 = arith.constant 0 : i32
    %dma_start3A_61 = arith.constant 2 : i32
    %dma_start3A_62 = arith.constant 0 : i32
    %dma_start3A_63 = arith.constant 2 : i32
    %dma_start3A_64 = arith.constant 0 : i32
    %dma_start3A_65 = arith.constant 0 : i32
    %dma_start3A_66 = tpu.memref_slice %arg6[%dma_start3A_62, %dma_start3A_63, %dma_start3A_64, %dma_start3A_65] : memref<2x4x200x64xf32, #tpu.memory_space<vmem>> -> memref<1x1x128x64xf32, #tpu.memory_space<vmem>>
    %dma_start3A_67 = tpu.memref_squeeze %dma_start3A_66 : memref<1x1x128x64xf32, #tpu.memory_space<vmem>> -> memref<128x64xf32, #tpu.memory_space<vmem>>
    %dma_start3A_68 = arith.constant 0 : i32
    %dma_start3A_69 = tpu.memref_slice %arg5[%dma_start3A_60, %dma_start3A_61, %dma_start3A_68] : memref<2x4x200xi32, #tpu.memory_space<vmem>> -> memref<1x1x128xi32, #tpu.memory_space<vmem>>
    %dma_start3A_70 = tpu.memref_squeeze %dma_start3A_69 : memref<1x1x128xi32, #tpu.memory_space<vmem>> -> memref<128xi32, #tpu.memory_space<vmem>>
    %dma_start3A_71 = arith.constant 0 : i32
    %dma_start3A_72 = arith.constant 0 : i32
    %dma_start3A_73 = tpu.memref_slice %arg3[%dma_start3A_71, %dma_start3A_72] : memref<1000000x64xf32, #tpu.memory_space<hbm>> -> memref<1000000x64xf32, #tpu.memory_space<hbm>>
    tpu.enqueue_indirect_dma source(%dma_start3A_73 : memref<1000000x64xf32, #tpu.memory_space<hbm>>) target(%dma_start3A_67 : memref<128x64xf32, #tpu.memory_space<vmem>>) offsets(%dma_start3A_70 : memref<128xi32, #tpu.memory_space<vmem>>) semaphore(%arg7 : memref<!tpu.dma_semaphore, #tpu.memory_space<semaphore_mem>>)
    %dma_start3A_74 = arith.constant 0 : i32
    %dma_start3A_75 = arith.constant 2 : i32
    %dma_start3A_76 = arith.constant 0 : i32
    %dma_start3A_77 = arith.constant 2 : i32
    %dma_start3A_78 = arith.constant 128 : i32
    %dma_start3A_79 = arith.constant 0 : i32
    %dma_start3A_80 = tpu.memref_slice %arg6[%dma_start3A_76, %dma_start3A_77, %dma_start3A_78, %dma_start3A_79] : memref<2x4x200x64xf32, #tpu.memory_space<vmem>> -> memref<1x1x72x64xf32, #tpu.memory_space<vmem>>
    %dma_start3A_81 = tpu.memref_squeeze %dma_start3A_80 : memref<1x1x72x64xf32, #tpu.memory_space<vmem>> -> memref<72x64xf32, #tpu.memory_space<vmem>>
    %dma_start3A_82 = arith.constant 128 : i32
    %dma_start3A_83 = tpu.memref_slice %arg5[%dma_start3A_74, %dma_start3A_75, %dma_start3A_82] : memref<2x4x200xi32, #tpu.memory_space<vmem>> -> memref<1x1x72xi32, #tpu.memory_space<vmem>>
    %dma_start3A_84 = tpu.memref_squeeze %dma_start3A_83 : memref<1x1x72xi32, #tpu.memory_space<vmem>> -> memref<72xi32, #tpu.memory_space<vmem>>
    %dma_start3A_85 = arith.constant 0 : i32
    %dma_start3A_86 = arith.constant 0 : i32
    %dma_start3A_87 = tpu.memref_slice %arg3[%dma_start3A_85, %dma_start3A_86] : memref<1000000x64xf32, #tpu.memory_space<hbm>> -> memref<1000000x64xf32, #tpu.memory_space<hbm>>
    tpu.enqueue_indirect_dma source(%dma_start3A_87 : memref<1000000x64xf32, #tpu.memory_space<hbm>>) target(%dma_start3A_81 : memref<72x64xf32, #tpu.memory_space<vmem>>) offsets(%dma_start3A_84 : memref<72xi32, #tpu.memory_space<vmem>>) semaphore(%arg7 : memref<!tpu.dma_semaphore, #tpu.memory_space<semaphore_mem>>)
    %dma_start3A_88 = arith.constant 0 : i32
    %dma_start3A_89 = arith.constant 3 : i32
    %dma_start3A_90 = arith.constant 0 : i32
    %dma_start3A_91 = arith.constant 3 : i32
    %dma_start3A_92 = arith.constant 0 : i32
    %dma_start3A_93 = arith.constant 0 : i32
    %dma_start3A_94 = tpu.memref_slice %arg6[%dma_start3A_90, %dma_start3A_91, %dma_start3A_92, %dma_start3A_93] : memref<2x4x200x64xf32, #tpu.memory_space<vmem>> -> memref<1x1x128x64xf32, #tpu.memory_space<vmem>>
    %dma_start3A_95 = tpu.memref_squeeze %dma_start3A_94 : memref<1x1x128x64xf32, #tpu.memory_space<vmem>> -> memref<128x64xf32, #tpu.memory_space<vmem>>
    %dma_start3A_96 = arith.constant 0 : i32
    %dma_start3A_97 = tpu.memref_slice %arg5[%dma_start3A_88, %dma_start3A_89, %dma_start3A_96] : memref<2x4x200xi32, #tpu.memory_space<vmem>> -> memref<1x1x128xi32, #tpu.memory_space<vmem>>
    %dma_start3A_98 = tpu.memref_squeeze %dma_start3A_97 : memref<1x1x128xi32, #tpu.memory_space<vmem>> -> memref<128xi32, #tpu.memory_space<vmem>>
    %dma_start3A_99 = arith.constant 0 : i32
    %dma_start3A_100 = arith.constant 0 : i32
    %dma_start3A_101 = tpu.memref_slice %arg3[%dma_start3A_99, %dma_start3A_100] : memref<1000000x64xf32, #tpu.memory_space<hbm>> -> memref<1000000x64xf32, #tpu.memory_space<hbm>>
    tpu.enqueue_indirect_dma source(%dma_start3A_101 : memref<1000000x64xf32, #tpu.memory_space<hbm>>) target(%dma_start3A_95 : memref<128x64xf32, #tpu.memory_space<vmem>>) offsets(%dma_start3A_98 : memref<128xi32, #tpu.memory_space<vmem>>) semaphore(%arg7 : memref<!tpu.dma_semaphore, #tpu.memory_space<semaphore_mem>>)
    %dma_start3A_102 = arith.constant 0 : i32
    %dma_start3A_103 = arith.constant 3 : i32
    %dma_start3A_104 = arith.constant 0 : i32
    %dma_start3A_105 = arith.constant 3 : i32
    %dma_start3A_106 = arith.constant 128 : i32
    %dma_start3A_107 = arith.constant 0 : i32
    %dma_start3A_108 = tpu.memref_slice %arg6[%dma_start3A_104, %dma_start3A_105, %dma_start3A_106, %dma_start3A_107] : memref<2x4x200x64xf32, #tpu.memory_space<vmem>> -> memref<1x1x72x64xf32, #tpu.memory_space<vmem>>
    %dma_start3A_109 = tpu.memref_squeeze %dma_start3A_108 : memref<1x1x72x64xf32, #tpu.memory_space<vmem>> -> memref<72x64xf32, #tpu.memory_space<vmem>>
    %dma_start3A_110 = arith.constant 128 : i32
    %dma_start3A_111 = tpu.memref_slice %arg5[%dma_start3A_102, %dma_start3A_103, %dma_start3A_110] : memref<2x4x200xi32, #tpu.memory_space<vmem>> -> memref<1x1x72xi32, #tpu.memory_space<vmem>>
    %dma_start3A_112 = tpu.memref_squeeze %dma_start3A_111 : memref<1x1x72xi32, #tpu.memory_space<vmem>> -> memref<72xi32, #tpu.memory_space<vmem>>
    %dma_start3A_113 = arith.constant 0 : i32
    %dma_start3A_114 = arith.constant 0 : i32
    %dma_start3A_115 = tpu.memref_slice %arg3[%dma_start3A_113, %dma_start3A_114] : memref<1000000x64xf32, #tpu.memory_space<hbm>> -> memref<1000000x64xf32, #tpu.memory_space<hbm>>
    tpu.enqueue_indirect_dma source(%dma_start3A_115 : memref<1000000x64xf32, #tpu.memory_space<hbm>>) target(%dma_start3A_109 : memref<72x64xf32, #tpu.memory_space<vmem>>) offsets(%dma_start3A_112 : memref<72xi32, #tpu.memory_space<vmem>>) semaphore(%arg7 : memref<!tpu.dma_semaphore, #tpu.memory_space<semaphore_mem>>)
    %add3A_116 = arith.constant 4 : i32
    %add3A_117 = arith.addi %mul3A_2, %add3A_116 : i32
    %run_scoped3A_118 = arith.constant 1 : i32
    "tpu.region"() ({
      %run_scoped3A_349 = tpu.sem_alloc : memref<!tpu.dma_semaphore, #tpu.memory_space<semaphore_mem>>
      %dma_start3A_350 = arith.constant 0 : i32
      %dma_start3A_351 = arith.constant 0 : i32
      %dma_start3A_352 = tpu.memref_slice %arg5[%run_scoped3A_118, %dma_start3A_350, %dma_start3A_351] : memref<2x4x200xi32, #tpu.memory_space<vmem>> -> memref<1x4x200xi32, #tpu.memory_space<vmem>>
      %dma_start3A_353 = tpu.memref_squeeze %dma_start3A_352 : memref<1x4x200xi32, #tpu.memory_space<vmem>> -> memref<4x200xi32, #tpu.memory_space<vmem>>
      %dma_start3A_354 = arith.constant 0 : i32
      %dma_start3A_355 = tpu.memref_slice %arg2[%add3A_117, %dma_start3A_354] : memref<4096x200xi32, #tpu.memory_space<hbm>> -> memref<4x200xi32, #tpu.memory_space<hbm>>
      %dma_start3A_356 = arith.constant 0 : i32
      %dma_start3A_357 = arith.constant 0 : i32
      %dma_start3A_358 = tpu.memref_slice %arg5[%run_scoped3A_118, %dma_start3A_356, %dma_start3A_357] : memref<2x4x200xi32, #tpu.memory_space<vmem>> -> memref<1x4x200xi32, #tpu.memory_space<vmem>>
      %dma_start3A_359 = tpu.memref_squeeze %dma_start3A_358 : memref<1x4x200xi32, #tpu.memory_space<vmem>> -> memref<4x200xi32, #tpu.memory_space<vmem>>
      %dma_start3A_360 = arith.constant 0 : i32
      %dma_start3A_361 = tpu.memref_slice %arg2[%add3A_117, %dma_start3A_360] : memref<4096x200xi32, #tpu.memory_space<hbm>> -> memref<4x200xi32, #tpu.memory_space<hbm>>
      tpu.enqueue_dma source(%dma_start3A_361 : memref<4x200xi32, #tpu.memory_space<hbm>>) target(%dma_start3A_359 : memref<4x200xi32, #tpu.memory_space<vmem>>) target_semaphore(%run_scoped3A_349 : memref<!tpu.dma_semaphore, #tpu.memory_space<semaphore_mem>>)
      %dma_wait3A_362 = arith.constant 0 : i32
      %dma_wait3A_363 = arith.constant 0 : i32
      %dma_wait3A_364 = tpu.memref_slice %arg5[%run_scoped3A_118, %dma_wait3A_362, %dma_wait3A_363] : memref<2x4x200xi32, #tpu.memory_space<vmem>> -> memref<1x4x200xi32, #tpu.memory_space<vmem>>
      %dma_wait3A_365 = tpu.memref_squeeze %dma_wait3A_364 : memref<1x4x200xi32, #tpu.memory_space<vmem>> -> memref<4x200xi32, #tpu.memory_space<vmem>>
      %dma_wait3A_366 = arith.constant 0 : i32
      %dma_wait3A_367 = tpu.memref_slice %arg2[%add3A_117, %dma_wait3A_366] : memref<4096x200xi32, #tpu.memory_space<hbm>> -> memref<4x200xi32, #tpu.memory_space<hbm>>
      %dma_wait3A_368 = arith.constant 0 : i32
      %dma_wait3A_369 = arith.constant 0 : i32
      %dma_wait3A_370 = tpu.memref_slice %arg5[%run_scoped3A_118, %dma_wait3A_368, %dma_wait3A_369] : memref<2x4x200xi32, #tpu.memory_space<vmem>> -> memref<1x4x200xi32, #tpu.memory_space<vmem>>
      %dma_wait3A_371 = tpu.memref_squeeze %dma_wait3A_370 : memref<1x4x200xi32, #tpu.memory_space<vmem>> -> memref<4x200xi32, #tpu.memory_space<vmem>>
      %dma_wait3A_372 = arith.constant 0 : i32
      %dma_wait3A_373 = tpu.memref_slice %arg2[%add3A_117, %dma_wait3A_372] : memref<4096x200xi32, #tpu.memory_space<hbm>> -> memref<4x200xi32, #tpu.memory_space<hbm>>
      tpu.wait_dma2 semaphore(%run_scoped3A_349 : memref<!tpu.dma_semaphore, #tpu.memory_space<semaphore_mem>>) src(%dma_wait3A_373 : memref<4x200xi32, #tpu.memory_space<hbm>>) dst(%dma_wait3A_371 : memref<4x200xi32, #tpu.memory_space<vmem>>)
      tpu.yield
    }) : () -> ()
    %dma_start3A_119 = arith.constant 1 : i32
    %dma_start3A_120 = arith.constant 0 : i32
    %dma_start3A_121 = arith.constant 1 : i32
    %dma_start3A_122 = arith.constant 0 : i32
    %dma_start3A_123 = arith.constant 0 : i32
    %dma_start3A_124 = arith.constant 0 : i32
    %dma_start3A_125 = tpu.memref_slice %arg6[%dma_start3A_121, %dma_start3A_122, %dma_start3A_123, %dma_start3A_124] : memref<2x4x200x64xf32, #tpu.memory_space<vmem>> -> memref<1x1x128x64xf32, #tpu.memory_space<vmem>>
    %dma_start3A_126 = tpu.memref_squeeze %dma_start3A_125 : memref<1x1x128x64xf32, #tpu.memory_space<vmem>> -> memref<128x64xf32, #tpu.memory_space<vmem>>
    %dma_start3A_127 = arith.constant 0 : i32
    %dma_start3A_128 = tpu.memref_slice %arg5[%dma_start3A_119, %dma_start3A_120, %dma_start3A_127] : memref<2x4x200xi32, #tpu.memory_space<vmem>> -> memref<1x1x128xi32, #tpu.memory_space<vmem>>
    %dma_start3A_129 = tpu.memref_squeeze %dma_start3A_128 : memref<1x1x128xi32, #tpu.memory_space<vmem>> -> memref<128xi32, #tpu.memory_space<vmem>>
    %dma_start3A_130 = arith.constant 0 : i32
    %dma_start3A_131 = arith.constant 0 : i32
    %dma_start3A_132 = tpu.memref_slice %arg3[%dma_start3A_130, %dma_start3A_131] : memref<1000000x64xf32, #tpu.memory_space<hbm>> -> memref<1000000x64xf32, #tpu.memory_space<hbm>>
    tpu.enqueue_indirect_dma source(%dma_start3A_132 : memref<1000000x64xf32, #tpu.memory_space<hbm>>) target(%dma_start3A_126 : memref<128x64xf32, #tpu.memory_space<vmem>>) offsets(%dma_start3A_129 : memref<128xi32, #tpu.memory_space<vmem>>) semaphore(%arg8 : memref<!tpu.dma_semaphore, #tpu.memory_space<semaphore_mem>>)
    %dma_start3A_133 = arith.constant 1 : i32
    %dma_start3A_134 = arith.constant 0 : i32
    %dma_start3A_135 = arith.constant 1 : i32
    %dma_start3A_136 = arith.constant 0 : i32
    %dma_start3A_137 = arith.constant 128 : i32
    %dma_start3A_138 = arith.constant 0 : i32
    %dma_start3A_139 = tpu.memref_slice %arg6[%dma_start3A_135, %dma_start3A_136, %dma_start3A_137, %dma_start3A_138] : memref<2x4x200x64xf32, #tpu.memory_space<vmem>> -> memref<1x1x72x64xf32, #tpu.memory_space<vmem>>
    %dma_start3A_140 = tpu.memref_squeeze %dma_start3A_139 : memref<1x1x72x64xf32, #tpu.memory_space<vmem>> -> memref<72x64xf32, #tpu.memory_space<vmem>>
    %dma_start3A_141 = arith.constant 128 : i32
    %dma_start3A_142 = tpu.memref_slice %arg5[%dma_start3A_133, %dma_start3A_134, %dma_start3A_141] : memref<2x4x200xi32, #tpu.memory_space<vmem>> -> memref<1x1x72xi32, #tpu.memory_space<vmem>>
    %dma_start3A_143 = tpu.memref_squeeze %dma_start3A_142 : memref<1x1x72xi32, #tpu.memory_space<vmem>> -> memref<72xi32, #tpu.memory_space<vmem>>
    %dma_start3A_144 = arith.constant 0 : i32
    %dma_start3A_145 = arith.constant 0 : i32
    %dma_start3A_146 = tpu.memref_slice %arg3[%dma_start3A_144, %dma_start3A_145] : memref<1000000x64xf32, #tpu.memory_space<hbm>> -> memref<1000000x64xf32, #tpu.memory_space<hbm>>
    tpu.enqueue_indirect_dma source(%dma_start3A_146 : memref<1000000x64xf32, #tpu.memory_space<hbm>>) target(%dma_start3A_140 : memref<72x64xf32, #tpu.memory_space<vmem>>) offsets(%dma_start3A_143 : memref<72xi32, #tpu.memory_space<vmem>>) semaphore(%arg8 : memref<!tpu.dma_semaphore, #tpu.memory_space<semaphore_mem>>)
    %dma_start3A_147 = arith.constant 1 : i32
    %dma_start3A_148 = arith.constant 1 : i32
    %dma_start3A_149 = arith.constant 1 : i32
    %dma_start3A_150 = arith.constant 1 : i32
    %dma_start3A_151 = arith.constant 0 : i32
    %dma_start3A_152 = arith.constant 0 : i32
    %dma_start3A_153 = tpu.memref_slice %arg6[%dma_start3A_149, %dma_start3A_150, %dma_start3A_151, %dma_start3A_152] : memref<2x4x200x64xf32, #tpu.memory_space<vmem>> -> memref<1x1x128x64xf32, #tpu.memory_space<vmem>>
    %dma_start3A_154 = tpu.memref_squeeze %dma_start3A_153 : memref<1x1x128x64xf32, #tpu.memory_space<vmem>> -> memref<128x64xf32, #tpu.memory_space<vmem>>
    %dma_start3A_155 = arith.constant 0 : i32
    %dma_start3A_156 = tpu.memref_slice %arg5[%dma_start3A_147, %dma_start3A_148, %dma_start3A_155] : memref<2x4x200xi32, #tpu.memory_space<vmem>> -> memref<1x1x128xi32, #tpu.memory_space<vmem>>
    %dma_start3A_157 = tpu.memref_squeeze %dma_start3A_156 : memref<1x1x128xi32, #tpu.memory_space<vmem>> -> memref<128xi32, #tpu.memory_space<vmem>>
    %dma_start3A_158 = arith.constant 0 : i32
    %dma_start3A_159 = arith.constant 0 : i32
    %dma_start3A_160 = tpu.memref_slice %arg3[%dma_start3A_158, %dma_start3A_159] : memref<1000000x64xf32, #tpu.memory_space<hbm>> -> memref<1000000x64xf32, #tpu.memory_space<hbm>>
    tpu.enqueue_indirect_dma source(%dma_start3A_160 : memref<1000000x64xf32, #tpu.memory_space<hbm>>) target(%dma_start3A_154 : memref<128x64xf32, #tpu.memory_space<vmem>>) offsets(%dma_start3A_157 : memref<128xi32, #tpu.memory_space<vmem>>) semaphore(%arg8 : memref<!tpu.dma_semaphore, #tpu.memory_space<semaphore_mem>>)
    %dma_start3A_161 = arith.constant 1 : i32
    %dma_start3A_162 = arith.constant 1 : i32
    %dma_start3A_163 = arith.constant 1 : i32
    %dma_start3A_164 = arith.constant 1 : i32
    %dma_start3A_165 = arith.constant 128 : i32
    %dma_start3A_166 = arith.constant 0 : i32
    %dma_start3A_167 = tpu.memref_slice %arg6[%dma_start3A_163, %dma_start3A_164, %dma_start3A_165, %dma_start3A_166] : memref<2x4x200x64xf32, #tpu.memory_space<vmem>> -> memref<1x1x72x64xf32, #tpu.memory_space<vmem>>
    %dma_start3A_168 = tpu.memref_squeeze %dma_start3A_167 : memref<1x1x72x64xf32, #tpu.memory_space<vmem>> -> memref<72x64xf32, #tpu.memory_space<vmem>>
    %dma_start3A_169 = arith.constant 128 : i32
    %dma_start3A_170 = tpu.memref_slice %arg5[%dma_start3A_161, %dma_start3A_162, %dma_start3A_169] : memref<2x4x200xi32, #tpu.memory_space<vmem>> -> memref<1x1x72xi32, #tpu.memory_space<vmem>>
    %dma_start3A_171 = tpu.memref_squeeze %dma_start3A_170 : memref<1x1x72xi32, #tpu.memory_space<vmem>> -> memref<72xi32, #tpu.memory_space<vmem>>
    %dma_start3A_172 = arith.constant 0 : i32
    %dma_start3A_173 = arith.constant 0 : i32
    %dma_start3A_174 = tpu.memref_slice %arg3[%dma_start3A_172, %dma_start3A_173] : memref<1000000x64xf32, #tpu.memory_space<hbm>> -> memref<1000000x64xf32, #tpu.memory_space<hbm>>
    tpu.enqueue_indirect_dma source(%dma_start3A_174 : memref<1000000x64xf32, #tpu.memory_space<hbm>>) target(%dma_start3A_168 : memref<72x64xf32, #tpu.memory_space<vmem>>) offsets(%dma_start3A_171 : memref<72xi32, #tpu.memory_space<vmem>>) semaphore(%arg8 : memref<!tpu.dma_semaphore, #tpu.memory_space<semaphore_mem>>)
    %dma_start3A_175 = arith.constant 1 : i32
    %dma_start3A_176 = arith.constant 2 : i32
    %dma_start3A_177 = arith.constant 1 : i32
    %dma_start3A_178 = arith.constant 2 : i32
    %dma_start3A_179 = arith.constant 0 : i32
    %dma_start3A_180 = arith.constant 0 : i32
    %dma_start3A_181 = tpu.memref_slice %arg6[%dma_start3A_177, %dma_start3A_178, %dma_start3A_179, %dma_start3A_180] : memref<2x4x200x64xf32, #tpu.memory_space<vmem>> -> memref<1x1x128x64xf32, #tpu.memory_space<vmem>>
    %dma_start3A_182 = tpu.memref_squeeze %dma_start3A_181 : memref<1x1x128x64xf32, #tpu.memory_space<vmem>> -> memref<128x64xf32, #tpu.memory_space<vmem>>
    %dma_start3A_183 = arith.constant 0 : i32
    %dma_start3A_184 = tpu.memref_slice %arg5[%dma_start3A_175, %dma_start3A_176, %dma_start3A_183] : memref<2x4x200xi32, #tpu.memory_space<vmem>> -> memref<1x1x128xi32, #tpu.memory_space<vmem>>
    %dma_start3A_185 = tpu.memref_squeeze %dma_start3A_184 : memref<1x1x128xi32, #tpu.memory_space<vmem>> -> memref<128xi32, #tpu.memory_space<vmem>>
    %dma_start3A_186 = arith.constant 0 : i32
    %dma_start3A_187 = arith.constant 0 : i32
    %dma_start3A_188 = tpu.memref_slice %arg3[%dma_start3A_186, %dma_start3A_187] : memref<1000000x64xf32, #tpu.memory_space<hbm>> -> memref<1000000x64xf32, #tpu.memory_space<hbm>>
    tpu.enqueue_indirect_dma source(%dma_start3A_188 : memref<1000000x64xf32, #tpu.memory_space<hbm>>) target(%dma_start3A_182 : memref<128x64xf32, #tpu.memory_space<vmem>>) offsets(%dma_start3A_185 : memref<128xi32, #tpu.memory_space<vmem>>) semaphore(%arg8 : memref<!tpu.dma_semaphore, #tpu.memory_space<semaphore_mem>>)
    %dma_start3A_189 = arith.constant 1 : i32
    %dma_start3A_190 = arith.constant 2 : i32
    %dma_start3A_191 = arith.constant 1 : i32
    %dma_start3A_192 = arith.constant 2 : i32
    %dma_start3A_193 = arith.constant 128 : i32
    %dma_start3A_194 = arith.constant 0 : i32
    %dma_start3A_195 = tpu.memref_slice %arg6[%dma_start3A_191, %dma_start3A_192, %dma_start3A_193, %dma_start3A_194] : memref<2x4x200x64xf32, #tpu.memory_space<vmem>> -> memref<1x1x72x64xf32, #tpu.memory_space<vmem>>
    %dma_start3A_196 = tpu.memref_squeeze %dma_start3A_195 : memref<1x1x72x64xf32, #tpu.memory_space<vmem>> -> memref<72x64xf32, #tpu.memory_space<vmem>>
    %dma_start3A_197 = arith.constant 128 : i32
    %dma_start3A_198 = tpu.memref_slice %arg5[%dma_start3A_189, %dma_start3A_190, %dma_start3A_197] : memref<2x4x200xi32, #tpu.memory_space<vmem>> -> memref<1x1x72xi32, #tpu.memory_space<vmem>>
    %dma_start3A_199 = tpu.memref_squeeze %dma_start3A_198 : memref<1x1x72xi32, #tpu.memory_space<vmem>> -> memref<72xi32, #tpu.memory_space<vmem>>
    %dma_start3A_200 = arith.constant 0 : i32
    %dma_start3A_201 = arith.constant 0 : i32
    %dma_start3A_202 = tpu.memref_slice %arg3[%dma_start3A_200, %dma_start3A_201] : memref<1000000x64xf32, #tpu.memory_space<hbm>> -> memref<1000000x64xf32, #tpu.memory_space<hbm>>
    tpu.enqueue_indirect_dma source(%dma_start3A_202 : memref<1000000x64xf32, #tpu.memory_space<hbm>>) target(%dma_start3A_196 : memref<72x64xf32, #tpu.memory_space<vmem>>) offsets(%dma_start3A_199 : memref<72xi32, #tpu.memory_space<vmem>>) semaphore(%arg8 : memref<!tpu.dma_semaphore, #tpu.memory_space<semaphore_mem>>)
    %dma_start3A_203 = arith.constant 1 : i32
    %dma_start3A_204 = arith.constant 3 : i32
    %dma_start3A_205 = arith.constant 1 : i32
    %dma_start3A_206 = arith.constant 3 : i32
    %dma_start3A_207 = arith.constant 0 : i32
    %dma_start3A_208 = arith.constant 0 : i32
    %dma_start3A_209 = tpu.memref_slice %arg6[%dma_start3A_205, %dma_start3A_206, %dma_start3A_207, %dma_start3A_208] : memref<2x4x200x64xf32, #tpu.memory_space<vmem>> -> memref<1x1x128x64xf32, #tpu.memory_space<vmem>>
    %dma_start3A_210 = tpu.memref_squeeze %dma_start3A_209 : memref<1x1x128x64xf32, #tpu.memory_space<vmem>> -> memref<128x64xf32, #tpu.memory_space<vmem>>
    %dma_start3A_211 = arith.constant 0 : i32
    %dma_start3A_212 = tpu.memref_slice %arg5[%dma_start3A_203, %dma_start3A_204, %dma_start3A_211] : memref<2x4x200xi32, #tpu.memory_space<vmem>> -> memref<1x1x128xi32, #tpu.memory_space<vmem>>
    %dma_start3A_213 = tpu.memref_squeeze %dma_start3A_212 : memref<1x1x128xi32, #tpu.memory_space<vmem>> -> memref<128xi32, #tpu.memory_space<vmem>>
    %dma_start3A_214 = arith.constant 0 : i32
    %dma_start3A_215 = arith.constant 0 : i32
    %dma_start3A_216 = tpu.memref_slice %arg3[%dma_start3A_214, %dma_start3A_215] : memref<1000000x64xf32, #tpu.memory_space<hbm>> -> memref<1000000x64xf32, #tpu.memory_space<hbm>>
    tpu.enqueue_indirect_dma source(%dma_start3A_216 : memref<1000000x64xf32, #tpu.memory_space<hbm>>) target(%dma_start3A_210 : memref<128x64xf32, #tpu.memory_space<vmem>>) offsets(%dma_start3A_213 : memref<128xi32, #tpu.memory_space<vmem>>) semaphore(%arg8 : memref<!tpu.dma_semaphore, #tpu.memory_space<semaphore_mem>>)
    %dma_start3A_217 = arith.constant 1 : i32
    %dma_start3A_218 = arith.constant 3 : i32
    %dma_start3A_219 = arith.constant 1 : i32
    %dma_start3A_220 = arith.constant 3 : i32
    %dma_start3A_221 = arith.constant 128 : i32
    %dma_start3A_222 = arith.constant 0 : i32
    %dma_start3A_223 = tpu.memref_slice %arg6[%dma_start3A_219, %dma_start3A_220, %dma_start3A_221, %dma_start3A_222] : memref<2x4x200x64xf32, #tpu.memory_space<vmem>> -> memref<1x1x72x64xf32, #tpu.memory_space<vmem>>
    %dma_start3A_224 = tpu.memref_squeeze %dma_start3A_223 : memref<1x1x72x64xf32, #tpu.memory_space<vmem>> -> memref<72x64xf32, #tpu.memory_space<vmem>>
    %dma_start3A_225 = arith.constant 128 : i32
    %dma_start3A_226 = tpu.memref_slice %arg5[%dma_start3A_217, %dma_start3A_218, %dma_start3A_225] : memref<2x4x200xi32, #tpu.memory_space<vmem>> -> memref<1x1x72xi32, #tpu.memory_space<vmem>>
    %dma_start3A_227 = tpu.memref_squeeze %dma_start3A_226 : memref<1x1x72xi32, #tpu.memory_space<vmem>> -> memref<72xi32, #tpu.memory_space<vmem>>
    %dma_start3A_228 = arith.constant 0 : i32
    %dma_start3A_229 = arith.constant 0 : i32
    %dma_start3A_230 = tpu.memref_slice %arg3[%dma_start3A_228, %dma_start3A_229] : memref<1000000x64xf32, #tpu.memory_space<hbm>> -> memref<1000000x64xf32, #tpu.memory_space<hbm>>
    tpu.enqueue_indirect_dma source(%dma_start3A_230 : memref<1000000x64xf32, #tpu.memory_space<hbm>>) target(%dma_start3A_224 : memref<72x64xf32, #tpu.memory_space<vmem>>) offsets(%dma_start3A_227 : memref<72xi32, #tpu.memory_space<vmem>>) semaphore(%arg8 : memref<!tpu.dma_semaphore, #tpu.memory_space<semaphore_mem>>)
    %scan3A = arith.constant 0 : i32
    %scan3A_231 = arith.constant 0 : i32
    %scan3A_232 = arith.constant 15 : i32
    %scan3A_233 = arith.addi %scan3A_231, %scan3A_232 : i32
    %scan3A_234 = arith.constant 1 : i32
    scf.for %scan3A_349 = %scan3A_231 to %scan3A_233 step %scan3A_234  : i32 {
      %mul3A_350 = arith.constant 2 : i32
      %mul3A_351 = arith.muli %mul3A_350, %scan3A_349 : i32
      %dma_wait3A_352 = arith.constant 0 : i32
      %dma_wait3A_353 = arith.constant 0 : i32
      %dma_wait3A_354 = arith.constant 0 : i32
      %dma_wait3A_355 = arith.constant 0 : i32
      %dma_wait3A_356 = tpu.memref_slice %arg6[%dma_wait3A_352, %dma_wait3A_353, %dma_wait3A_354, %dma_wait3A_355] : memref<2x4x200x64xf32, #tpu.memory_space<vmem>> -> memref<1x4x200x64xf32, #tpu.memory_space<vmem>>
      %dma_wait3A_357 = tpu.memref_squeeze %dma_wait3A_356 : memref<1x4x200x64xf32, #tpu.memory_space<vmem>> -> memref<4x200x64xf32, #tpu.memory_space<vmem>>
      %dma_wait3A_358 = arith.constant 0 : i32
      %dma_wait3A_359 = arith.constant 0 : i32
      %dma_wait3A_360 = arith.constant 0 : i32
      %dma_wait3A_361 = tpu.memref_slice %arg4[%dma_wait3A_358, %dma_wait3A_359, %dma_wait3A_360] : memref<4096x200x64xf32, #tpu.memory_space<hbm>> -> memref<4x200x64xf32, #tpu.memory_space<hbm>>
      %dma_wait3A_362 = arith.constant 0 : i32
      %dma_wait3A_363 = arith.constant 0 : i32
      %dma_wait3A_364 = arith.constant 0 : i32
      %dma_wait3A_365 = tpu.memref_slice %arg6[%dma_wait3A_352, %dma_wait3A_362, %dma_wait3A_363, %dma_wait3A_364] : memref<2x4x200x64xf32, #tpu.memory_space<vmem>> -> memref<1x4x200x64xf32, #tpu.memory_space<vmem>>
      %dma_wait3A_366 = tpu.memref_squeeze %dma_wait3A_365 : memref<1x4x200x64xf32, #tpu.memory_space<vmem>> -> memref<4x200x64xf32, #tpu.memory_space<vmem>>
      %dma_wait3A_367 = arith.constant 0 : i32
      %dma_wait3A_368 = arith.constant 0 : i32
      %dma_wait3A_369 = arith.constant 0 : i32
      %dma_wait3A_370 = tpu.memref_slice %arg4[%dma_wait3A_367, %dma_wait3A_368, %dma_wait3A_369] : memref<4096x200x64xf32, #tpu.memory_space<hbm>> -> memref<4x200x64xf32, #tpu.memory_space<hbm>>
      tpu.wait_dma2 semaphore(%arg7 : memref<!tpu.dma_semaphore, #tpu.memory_space<semaphore_mem>>) src(%dma_wait3A_370 : memref<4x200x64xf32, #tpu.memory_space<hbm>>) dst(%dma_wait3A_366 : memref<4x200x64xf32, #tpu.memory_space<vmem>>)
      %mul3A_371 = arith.constant 4 : i32
      %mul3A_372 = arith.muli %mul3A_351, %mul3A_371 : i32
      %add3A_373 = arith.addi %mul3A_2, %mul3A_372 : i32
      %dma_start3A_374 = arith.constant 0 : i32
      %dma_start3A_375 = arith.constant 0 : i32
      %dma_start3A_376 = arith.constant 0 : i32
      %dma_start3A_377 = arith.constant 0 : i32
      %dma_start3A_378 = tpu.memref_slice %arg6[%dma_start3A_374, %dma_start3A_375, %dma_start3A_376, %dma_start3A_377] : memref<2x4x200x64xf32, #tpu.memory_space<vmem>> -> memref<1x4x200x64xf32, #tpu.memory_space<vmem>>
      %dma_start3A_379 = tpu.memref_squeeze %dma_start3A_378 : memref<1x4x200x64xf32, #tpu.memory_space<vmem>> -> memref<4x200x64xf32, #tpu.memory_space<vmem>>
      %dma_start3A_380 = arith.constant 0 : i32
      %dma_start3A_381 = arith.constant 0 : i32
      %dma_start3A_382 = tpu.memref_slice %arg4[%add3A_373, %dma_start3A_380, %dma_start3A_381] : memref<4096x200x64xf32, #tpu.memory_space<hbm>> -> memref<4x200x64xf32, #tpu.memory_space<hbm>>
      %dma_start3A_383 = arith.constant 0 : i32
      %dma_start3A_384 = arith.constant 0 : i32
      %dma_start3A_385 = tpu.memref_slice %arg4[%add3A_373, %dma_start3A_383, %dma_start3A_384] : memref<4096x200x64xf32, #tpu.memory_space<hbm>> -> memref<4x200x64xf32, #tpu.memory_space<hbm>>
      %dma_start3A_386 = arith.constant 0 : i32
      %dma_start3A_387 = arith.constant 0 : i32
      %dma_start3A_388 = arith.constant 0 : i32
      %dma_start3A_389 = tpu.memref_slice %arg6[%dma_start3A_374, %dma_start3A_386, %dma_start3A_387, %dma_start3A_388] : memref<2x4x200x64xf32, #tpu.memory_space<vmem>> -> memref<1x4x200x64xf32, #tpu.memory_space<vmem>>
      %dma_start3A_390 = tpu.memref_squeeze %dma_start3A_389 : memref<1x4x200x64xf32, #tpu.memory_space<vmem>> -> memref<4x200x64xf32, #tpu.memory_space<vmem>>
      tpu.enqueue_dma source(%dma_start3A_390 : memref<4x200x64xf32, #tpu.memory_space<vmem>>) target(%dma_start3A_385 : memref<4x200x64xf32, #tpu.memory_space<hbm>>) target_semaphore(%arg9 : memref<!tpu.dma_semaphore, #tpu.memory_space<semaphore_mem>>)
      %dma_wait3A_391 = arith.constant 1 : i32
      %dma_wait3A_392 = arith.constant 0 : i32
      %dma_wait3A_393 = arith.constant 0 : i32
      %dma_wait3A_394 = arith.constant 0 : i32
      %dma_wait3A_395 = tpu.memref_slice %arg6[%dma_wait3A_391, %dma_wait3A_392, %dma_wait3A_393, %dma_wait3A_394] : memref<2x4x200x64xf32, #tpu.memory_space<vmem>> -> memref<1x4x200x64xf32, #tpu.memory_space<vmem>>
      %dma_wait3A_396 = tpu.memref_squeeze %dma_wait3A_395 : memref<1x4x200x64xf32, #tpu.memory_space<vmem>> -> memref<4x200x64xf32, #tpu.memory_space<vmem>>
      %dma_wait3A_397 = arith.constant 0 : i32
      %dma_wait3A_398 = arith.constant 0 : i32
      %dma_wait3A_399 = arith.constant 0 : i32
      %dma_wait3A_400 = tpu.memref_slice %arg4[%dma_wait3A_397, %dma_wait3A_398, %dma_wait3A_399] : memref<4096x200x64xf32, #tpu.memory_space<hbm>> -> memref<4x200x64xf32, #tpu.memory_space<hbm>>
      %dma_wait3A_401 = arith.constant 0 : i32
      %dma_wait3A_402 = arith.constant 0 : i32
      %dma_wait3A_403 = arith.constant 0 : i32
      %dma_wait3A_404 = tpu.memref_slice %arg6[%dma_wait3A_391, %dma_wait3A_401, %dma_wait3A_402, %dma_wait3A_403] : memref<2x4x200x64xf32, #tpu.memory_space<vmem>> -> memref<1x4x200x64xf32, #tpu.memory_space<vmem>>
      %dma_wait3A_405 = tpu.memref_squeeze %dma_wait3A_404 : memref<1x4x200x64xf32, #tpu.memory_space<vmem>> -> memref<4x200x64xf32, #tpu.memory_space<vmem>>
      %dma_wait3A_406 = arith.constant 0 : i32
      %dma_wait3A_407 = arith.constant 0 : i32
      %dma_wait3A_408 = arith.constant 0 : i32
      %dma_wait3A_409 = tpu.memref_slice %arg4[%dma_wait3A_406, %dma_wait3A_407, %dma_wait3A_408] : memref<4096x200x64xf32, #tpu.memory_space<hbm>> -> memref<4x200x64xf32, #tpu.memory_space<hbm>>
      tpu.wait_dma2 semaphore(%arg8 : memref<!tpu.dma_semaphore, #tpu.memory_space<semaphore_mem>>) src(%dma_wait3A_409 : memref<4x200x64xf32, #tpu.memory_space<hbm>>) dst(%dma_wait3A_405 : memref<4x200x64xf32, #tpu.memory_space<vmem>>)
      %add3A_410 = arith.constant 1 : i32
      %add3A_411 = arith.addi %mul3A_351, %add3A_410 : i32
      %mul3A_412 = arith.constant 4 : i32
      %mul3A_413 = arith.muli %add3A_411, %mul3A_412 : i32
      %add3A_414 = arith.addi %mul3A_2, %mul3A_413 : i32
      %dma_start3A_415 = arith.constant 1 : i32
      %dma_start3A_416 = arith.constant 0 : i32
      %dma_start3A_417 = arith.constant 0 : i32
      %dma_start3A_418 = arith.constant 0 : i32
      %dma_start3A_419 = tpu.memref_slice %arg6[%dma_start3A_415, %dma_start3A_416, %dma_start3A_417, %dma_start3A_418] : memref<2x4x200x64xf32, #tpu.memory_space<vmem>> -> memref<1x4x200x64xf32, #tpu.memory_space<vmem>>
      %dma_start3A_420 = tpu.memref_squeeze %dma_start3A_419 : memref<1x4x200x64xf32, #tpu.memory_space<vmem>> -> memref<4x200x64xf32, #tpu.memory_space<vmem>>
      %dma_start3A_421 = arith.constant 0 : i32
      %dma_start3A_422 = arith.constant 0 : i32
      %dma_start3A_423 = tpu.memref_slice %arg4[%add3A_414, %dma_start3A_421, %dma_start3A_422] : memref<4096x200x64xf32, #tpu.memory_space<hbm>> -> memref<4x200x64xf32, #tpu.memory_space<hbm>>
      %dma_start3A_424 = arith.constant 0 : i32
      %dma_start3A_425 = arith.constant 0 : i32
      %dma_start3A_426 = tpu.memref_slice %arg4[%add3A_414, %dma_start3A_424, %dma_start3A_425] : memref<4096x200x64xf32, #tpu.memory_space<hbm>> -> memref<4x200x64xf32, #tpu.memory_space<hbm>>
      %dma_start3A_427 = arith.constant 0 : i32
      %dma_start3A_428 = arith.constant 0 : i32
      %dma_start3A_429 = arith.constant 0 : i32
      %dma_start3A_430 = tpu.memref_slice %arg6[%dma_start3A_415, %dma_start3A_427, %dma_start3A_428, %dma_start3A_429] : memref<2x4x200x64xf32, #tpu.memory_space<vmem>> -> memref<1x4x200x64xf32, #tpu.memory_space<vmem>>
      %dma_start3A_431 = tpu.memref_squeeze %dma_start3A_430 : memref<1x4x200x64xf32, #tpu.memory_space<vmem>> -> memref<4x200x64xf32, #tpu.memory_space<vmem>>
      tpu.enqueue_dma source(%dma_start3A_431 : memref<4x200x64xf32, #tpu.memory_space<vmem>>) target(%dma_start3A_426 : memref<4x200x64xf32, #tpu.memory_space<hbm>>) target_semaphore(%arg10 : memref<!tpu.dma_semaphore, #tpu.memory_space<semaphore_mem>>)
      %dma_wait3A_432 = arith.constant 0 : i32
      %dma_wait3A_433 = arith.constant 0 : i32
      %dma_wait3A_434 = arith.constant 0 : i32
      %dma_wait3A_435 = arith.constant 0 : i32
      %dma_wait3A_436 = tpu.memref_slice %arg6[%dma_wait3A_432, %dma_wait3A_433, %dma_wait3A_434, %dma_wait3A_435] : memref<2x4x200x64xf32, #tpu.memory_space<vmem>> -> memref<1x4x200x64xf32, #tpu.memory_space<vmem>>
      %dma_wait3A_437 = tpu.memref_squeeze %dma_wait3A_436 : memref<1x4x200x64xf32, #tpu.memory_space<vmem>> -> memref<4x200x64xf32, #tpu.memory_space<vmem>>
      %dma_wait3A_438 = arith.constant 0 : i32
      %dma_wait3A_439 = arith.constant 0 : i32
      %dma_wait3A_440 = arith.constant 0 : i32
      %dma_wait3A_441 = tpu.memref_slice %arg4[%dma_wait3A_438, %dma_wait3A_439, %dma_wait3A_440] : memref<4096x200x64xf32, #tpu.memory_space<hbm>> -> memref<4x200x64xf32, #tpu.memory_space<hbm>>
      %dma_wait3A_442 = arith.constant 0 : i32
      %dma_wait3A_443 = arith.constant 0 : i32
      %dma_wait3A_444 = arith.constant 0 : i32
      %dma_wait3A_445 = tpu.memref_slice %arg6[%dma_wait3A_432, %dma_wait3A_442, %dma_wait3A_443, %dma_wait3A_444] : memref<2x4x200x64xf32, #tpu.memory_space<vmem>> -> memref<1x4x200x64xf32, #tpu.memory_space<vmem>>
      %dma_wait3A_446 = tpu.memref_squeeze %dma_wait3A_445 : memref<1x4x200x64xf32, #tpu.memory_space<vmem>> -> memref<4x200x64xf32, #tpu.memory_space<vmem>>
      %dma_wait3A_447 = arith.constant 0 : i32
      %dma_wait3A_448 = arith.constant 0 : i32
      %dma_wait3A_449 = arith.constant 0 : i32
      %dma_wait3A_450 = tpu.memref_slice %arg4[%dma_wait3A_447, %dma_wait3A_448, %dma_wait3A_449] : memref<4096x200x64xf32, #tpu.memory_space<hbm>> -> memref<4x200x64xf32, #tpu.memory_space<hbm>>
      tpu.wait_dma2 semaphore(%arg9 : memref<!tpu.dma_semaphore, #tpu.memory_space<semaphore_mem>>) src(%dma_wait3A_450 : memref<4x200x64xf32, #tpu.memory_space<hbm>>) dst(%dma_wait3A_446 : memref<4x200x64xf32, #tpu.memory_space<vmem>>)
      %add3A_451 = arith.constant 2 : i32
      %add3A_452 = arith.addi %mul3A_351, %add3A_451 : i32
      %mul3A_453 = arith.constant 4 : i32
      %mul3A_454 = arith.muli %add3A_452, %mul3A_453 : i32
      %add3A_455 = arith.addi %mul3A_2, %mul3A_454 : i32
      %run_scoped3A_456 = arith.constant 0 : i32
      "tpu.region"() ({
        %run_scoped3A_706 = tpu.sem_alloc : memref<!tpu.dma_semaphore, #tpu.memory_space<semaphore_mem>>
        %dma_start3A_707 = arith.constant 0 : i32
        %dma_start3A_708 = arith.constant 0 : i32
        %dma_start3A_709 = tpu.memref_slice %arg5[%run_scoped3A_456, %dma_start3A_707, %dma_start3A_708] : memref<2x4x200xi32, #tpu.memory_space<vmem>> -> memref<1x4x200xi32, #tpu.memory_space<vmem>>
        %dma_start3A_710 = tpu.memref_squeeze %dma_start3A_709 : memref<1x4x200xi32, #tpu.memory_space<vmem>> -> memref<4x200xi32, #tpu.memory_space<vmem>>
        %dma_start3A_711 = arith.constant 0 : i32
        %dma_start3A_712 = tpu.memref_slice %arg2[%add3A_455, %dma_start3A_711] : memref<4096x200xi32, #tpu.memory_space<hbm>> -> memref<4x200xi32, #tpu.memory_space<hbm>>
        %dma_start3A_713 = arith.constant 0 : i32
        %dma_start3A_714 = arith.constant 0 : i32
        %dma_start3A_715 = tpu.memref_slice %arg5[%run_scoped3A_456, %dma_start3A_713, %dma_start3A_714] : memref<2x4x200xi32, #tpu.memory_space<vmem>> -> memref<1x4x200xi32, #tpu.memory_space<vmem>>
        %dma_start3A_716 = tpu.memref_squeeze %dma_start3A_715 : memref<1x4x200xi32, #tpu.memory_space<vmem>> -> memref<4x200xi32, #tpu.memory_space<vmem>>
        %dma_start3A_717 = arith.constant 0 : i32
        %dma_start3A_718 = tpu.memref_slice %arg2[%add3A_455, %dma_start3A_717] : memref<4096x200xi32, #tpu.memory_space<hbm>> -> memref<4x200xi32, #tpu.memory_space<hbm>>
        tpu.enqueue_dma source(%dma_start3A_718 : memref<4x200xi32, #tpu.memory_space<hbm>>) target(%dma_start3A_716 : memref<4x200xi32, #tpu.memory_space<vmem>>) target_semaphore(%run_scoped3A_706 : memref<!tpu.dma_semaphore, #tpu.memory_space<semaphore_mem>>)
        %dma_wait3A_719 = arith.constant 0 : i32
        %dma_wait3A_720 = arith.constant 0 : i32
        %dma_wait3A_721 = tpu.memref_slice %arg5[%run_scoped3A_456, %dma_wait3A_719, %dma_wait3A_720] : memref<2x4x200xi32, #tpu.memory_space<vmem>> -> memref<1x4x200xi32, #tpu.memory_space<vmem>>
        %dma_wait3A_722 = tpu.memref_squeeze %dma_wait3A_721 : memref<1x4x200xi32, #tpu.memory_space<vmem>> -> memref<4x200xi32, #tpu.memory_space<vmem>>
        %dma_wait3A_723 = arith.constant 0 : i32
        %dma_wait3A_724 = tpu.memref_slice %arg2[%add3A_455, %dma_wait3A_723] : memref<4096x200xi32, #tpu.memory_space<hbm>> -> memref<4x200xi32, #tpu.memory_space<hbm>>
        %dma_wait3A_725 = arith.constant 0 : i32
        %dma_wait3A_726 = arith.constant 0 : i32
        %dma_wait3A_727 = tpu.memref_slice %arg5[%run_scoped3A_456, %dma_wait3A_725, %dma_wait3A_726] : memref<2x4x200xi32, #tpu.memory_space<vmem>> -> memref<1x4x200xi32, #tpu.memory_space<vmem>>
        %dma_wait3A_728 = tpu.memref_squeeze %dma_wait3A_727 : memref<1x4x200xi32, #tpu.memory_space<vmem>> -> memref<4x200xi32, #tpu.memory_space<vmem>>
        %dma_wait3A_729 = arith.constant 0 : i32
        %dma_wait3A_730 = tpu.memref_slice %arg2[%add3A_455, %dma_wait3A_729] : memref<4096x200xi32, #tpu.memory_space<hbm>> -> memref<4x200xi32, #tpu.memory_space<hbm>>
        tpu.wait_dma2 semaphore(%run_scoped3A_706 : memref<!tpu.dma_semaphore, #tpu.memory_space<semaphore_mem>>) src(%dma_wait3A_730 : memref<4x200xi32, #tpu.memory_space<hbm>>) dst(%dma_wait3A_728 : memref<4x200xi32, #tpu.memory_space<vmem>>)
        tpu.yield
      }) : () -> ()
      %dma_start3A_457 = arith.constant 0 : i32
      %dma_start3A_458 = arith.constant 0 : i32
      %dma_start3A_459 = arith.constant 0 : i32
      %dma_start3A_460 = arith.constant 0 : i32
      %dma_start3A_461 = arith.constant 0 : i32
      %dma_start3A_462 = arith.constant 0 : i32
      %dma_start3A_463 = tpu.memref_slice %arg6[%dma_start3A_459, %dma_start3A_460, %dma_start3A_461, %dma_start3A_462] : memref<2x4x200x64xf32, #tpu.memory_space<vmem>> -> memref<1x1x128x64xf32, #tpu.memory_space<vmem>>
      %dma_start3A_464 = tpu.memref_squeeze %dma_start3A_463 : memref<1x1x128x64xf32, #tpu.memory_space<vmem>> -> memref<128x64xf32, #tpu.memory_space<vmem>>
      %dma_start3A_465 = arith.constant 0 : i32
      %dma_start3A_466 = tpu.memref_slice %arg5[%dma_start3A_457, %dma_start3A_458, %dma_start3A_465] : memref<2x4x200xi32, #tpu.memory_space<vmem>> -> memref<1x1x128xi32, #tpu.memory_space<vmem>>
      %dma_start3A_467 = tpu.memref_squeeze %dma_start3A_466 : memref<1x1x128xi32, #tpu.memory_space<vmem>> -> memref<128xi32, #tpu.memory_space<vmem>>
      %dma_start3A_468 = arith.constant 0 : i32
      %dma_start3A_469 = arith.constant 0 : i32
      %dma_start3A_470 = tpu.memref_slice %arg3[%dma_start3A_468, %dma_start3A_469] : memref<1000000x64xf32, #tpu.memory_space<hbm>> -> memref<1000000x64xf32, #tpu.memory_space<hbm>>
      tpu.enqueue_indirect_dma source(%dma_start3A_470 : memref<1000000x64xf32, #tpu.memory_space<hbm>>) target(%dma_start3A_464 : memref<128x64xf32, #tpu.memory_space<vmem>>) offsets(%dma_start3A_467 : memref<128xi32, #tpu.memory_space<vmem>>) semaphore(%arg7 : memref<!tpu.dma_semaphore, #tpu.memory_space<semaphore_mem>>)
      %dma_start3A_471 = arith.constant 0 : i32
      %dma_start3A_472 = arith.constant 0 : i32
      %dma_start3A_473 = arith.constant 0 : i32
      %dma_start3A_474 = arith.constant 0 : i32
      %dma_start3A_475 = arith.constant 128 : i32
      %dma_start3A_476 = arith.constant 0 : i32
      %dma_start3A_477 = tpu.memref_slice %arg6[%dma_start3A_473, %dma_start3A_474, %dma_start3A_475, %dma_start3A_476] : memref<2x4x200x64xf32, #tpu.memory_space<vmem>> -> memref<1x1x72x64xf32, #tpu.memory_space<vmem>>
      %dma_start3A_478 = tpu.memref_squeeze %dma_start3A_477 : memref<1x1x72x64xf32, #tpu.memory_space<vmem>> -> memref<72x64xf32, #tpu.memory_space<vmem>>
      %dma_start3A_479 = arith.constant 128 : i32
      %dma_start3A_480 = tpu.memref_slice %arg5[%dma_start3A_471, %dma_start3A_472, %dma_start3A_479] : memref<2x4x200xi32, #tpu.memory_space<vmem>> -> memref<1x1x72xi32, #tpu.memory_space<vmem>>
      %dma_start3A_481 = tpu.memref_squeeze %dma_start3A_480 : memref<1x1x72xi32, #tpu.memory_space<vmem>> -> memref<72xi32, #tpu.memory_space<vmem>>
      %dma_start3A_482 = arith.constant 0 : i32
      %dma_start3A_483 = arith.constant 0 : i32
      %dma_start3A_484 = tpu.memref_slice %arg3[%dma_start3A_482, %dma_start3A_483] : memref<1000000x64xf32, #tpu.memory_space<hbm>> -> memref<1000000x64xf32, #tpu.memory_space<hbm>>
      tpu.enqueue_indirect_dma source(%dma_start3A_484 : memref<1000000x64xf32, #tpu.memory_space<hbm>>) target(%dma_start3A_478 : memref<72x64xf32, #tpu.memory_space<vmem>>) offsets(%dma_start3A_481 : memref<72xi32, #tpu.memory_space<vmem>>) semaphore(%arg7 : memref<!tpu.dma_semaphore, #tpu.memory_space<semaphore_mem>>)
      %dma_start3A_485 = arith.constant 0 : i32
      %dma_start3A_486 = arith.constant 1 : i32
      %dma_start3A_487 = arith.constant 0 : i32
      %dma_start3A_488 = arith.constant 1 : i32
      %dma_start3A_489 = arith.constant 0 : i32
      %dma_start3A_490 = arith.constant 0 : i32
      %dma_start3A_491 = tpu.memref_slice %arg6[%dma_start3A_487, %dma_start3A_488, %dma_start3A_489, %dma_start3A_490] : memref<2x4x200x64xf32, #tpu.memory_space<vmem>> -> memref<1x1x128x64xf32, #tpu.memory_space<vmem>>
      %dma_start3A_492 = tpu.memref_squeeze %dma_start3A_491 : memref<1x1x128x64xf32, #tpu.memory_space<vmem>> -> memref<128x64xf32, #tpu.memory_space<vmem>>
      %dma_start3A_493 = arith.constant 0 : i32
      %dma_start3A_494 = tpu.memref_slice %arg5[%dma_start3A_485, %dma_start3A_486, %dma_start3A_493] : memref<2x4x200xi32, #tpu.memory_space<vmem>> -> memref<1x1x128xi32, #tpu.memory_space<vmem>>
      %dma_start3A_495 = tpu.memref_squeeze %dma_start3A_494 : memref<1x1x128xi32, #tpu.memory_space<vmem>> -> memref<128xi32, #tpu.memory_space<vmem>>
      %dma_start3A_496 = arith.constant 0 : i32
      %dma_start3A_497 = arith.constant 0 : i32
      %dma_start3A_498 = tpu.memref_slice %arg3[%dma_start3A_496, %dma_start3A_497] : memref<1000000x64xf32, #tpu.memory_space<hbm>> -> memref<1000000x64xf32, #tpu.memory_space<hbm>>
      tpu.enqueue_indirect_dma source(%dma_start3A_498 : memref<1000000x64xf32, #tpu.memory_space<hbm>>) target(%dma_start3A_492 : memref<128x64xf32, #tpu.memory_space<vmem>>) offsets(%dma_start3A_495 : memref<128xi32, #tpu.memory_space<vmem>>) semaphore(%arg7 : memref<!tpu.dma_semaphore, #tpu.memory_space<semaphore_mem>>)
      %dma_start3A_499 = arith.constant 0 : i32
      %dma_start3A_500 = arith.constant 1 : i32
      %dma_start3A_501 = arith.constant 0 : i32
      %dma_start3A_502 = arith.constant 1 : i32
      %dma_start3A_503 = arith.constant 128 : i32
      %dma_start3A_504 = arith.constant 0 : i32
      %dma_start3A_505 = tpu.memref_slice %arg6[%dma_start3A_501, %dma_start3A_502, %dma_start3A_503, %dma_start3A_504] : memref<2x4x200x64xf32, #tpu.memory_space<vmem>> -> memref<1x1x72x64xf32, #tpu.memory_space<vmem>>
      %dma_start3A_506 = tpu.memref_squeeze %dma_start3A_505 : memref<1x1x72x64xf32, #tpu.memory_space<vmem>> -> memref<72x64xf32, #tpu.memory_space<vmem>>
      %dma_start3A_507 = arith.constant 128 : i32
      %dma_start3A_508 = tpu.memref_slice %arg5[%dma_start3A_499, %dma_start3A_500, %dma_start3A_507] : memref<2x4x200xi32, #tpu.memory_space<vmem>> -> memref<1x1x72xi32, #tpu.memory_space<vmem>>
      %dma_start3A_509 = tpu.memref_squeeze %dma_start3A_508 : memref<1x1x72xi32, #tpu.memory_space<vmem>> -> memref<72xi32, #tpu.memory_space<vmem>>
      %dma_start3A_510 = arith.constant 0 : i32
      %dma_start3A_511 = arith.constant 0 : i32
      %dma_start3A_512 = tpu.memref_slice %arg3[%dma_start3A_510, %dma_start3A_511] : memref<1000000x64xf32, #tpu.memory_space<hbm>> -> memref<1000000x64xf32, #tpu.memory_space<hbm>>
      tpu.enqueue_indirect_dma source(%dma_start3A_512 : memref<1000000x64xf32, #tpu.memory_space<hbm>>) target(%dma_start3A_506 : memref<72x64xf32, #tpu.memory_space<vmem>>) offsets(%dma_start3A_509 : memref<72xi32, #tpu.memory_space<vmem>>) semaphore(%arg7 : memref<!tpu.dma_semaphore, #tpu.memory_space<semaphore_mem>>)
      %dma_start3A_513 = arith.constant 0 : i32
      %dma_start3A_514 = arith.constant 2 : i32
      %dma_start3A_515 = arith.constant 0 : i32
      %dma_start3A_516 = arith.constant 2 : i32
      %dma_start3A_517 = arith.constant 0 : i32
      %dma_start3A_518 = arith.constant 0 : i32
      %dma_start3A_519 = tpu.memref_slice %arg6[%dma_start3A_515, %dma_start3A_516, %dma_start3A_517, %dma_start3A_518] : memref<2x4x200x64xf32, #tpu.memory_space<vmem>> -> memref<1x1x128x64xf32, #tpu.memory_space<vmem>>
      %dma_start3A_520 = tpu.memref_squeeze %dma_start3A_519 : memref<1x1x128x64xf32, #tpu.memory_space<vmem>> -> memref<128x64xf32, #tpu.memory_space<vmem>>
      %dma_start3A_521 = arith.constant 0 : i32
      %dma_start3A_522 = tpu.memref_slice %arg5[%dma_start3A_513, %dma_start3A_514, %dma_start3A_521] : memref<2x4x200xi32, #tpu.memory_space<vmem>> -> memref<1x1x128xi32, #tpu.memory_space<vmem>>
      %dma_start3A_523 = tpu.memref_squeeze %dma_start3A_522 : memref<1x1x128xi32, #tpu.memory_space<vmem>> -> memref<128xi32, #tpu.memory_space<vmem>>
      %dma_start3A_524 = arith.constant 0 : i32
      %dma_start3A_525 = arith.constant 0 : i32
      %dma_start3A_526 = tpu.memref_slice %arg3[%dma_start3A_524, %dma_start3A_525] : memref<1000000x64xf32, #tpu.memory_space<hbm>> -> memref<1000000x64xf32, #tpu.memory_space<hbm>>
      tpu.enqueue_indirect_dma source(%dma_start3A_526 : memref<1000000x64xf32, #tpu.memory_space<hbm>>) target(%dma_start3A_520 : memref<128x64xf32, #tpu.memory_space<vmem>>) offsets(%dma_start3A_523 : memref<128xi32, #tpu.memory_space<vmem>>) semaphore(%arg7 : memref<!tpu.dma_semaphore, #tpu.memory_space<semaphore_mem>>)
      %dma_start3A_527 = arith.constant 0 : i32
      %dma_start3A_528 = arith.constant 2 : i32
      %dma_start3A_529 = arith.constant 0 : i32
      %dma_start3A_530 = arith.constant 2 : i32
      %dma_start3A_531 = arith.constant 128 : i32
      %dma_start3A_532 = arith.constant 0 : i32
      %dma_start3A_533 = tpu.memref_slice %arg6[%dma_start3A_529, %dma_start3A_530, %dma_start3A_531, %dma_start3A_532] : memref<2x4x200x64xf32, #tpu.memory_space<vmem>> -> memref<1x1x72x64xf32, #tpu.memory_space<vmem>>
      %dma_start3A_534 = tpu.memref_squeeze %dma_start3A_533 : memref<1x1x72x64xf32, #tpu.memory_space<vmem>> -> memref<72x64xf32, #tpu.memory_space<vmem>>
      %dma_start3A_535 = arith.constant 128 : i32
      %dma_start3A_536 = tpu.memref_slice %arg5[%dma_start3A_527, %dma_start3A_528, %dma_start3A_535] : memref<2x4x200xi32, #tpu.memory_space<vmem>> -> memref<1x1x72xi32, #tpu.memory_space<vmem>>
      %dma_start3A_537 = tpu.memref_squeeze %dma_start3A_536 : memref<1x1x72xi32, #tpu.memory_space<vmem>> -> memref<72xi32, #tpu.memory_space<vmem>>
      %dma_start3A_538 = arith.constant 0 : i32
      %dma_start3A_539 = arith.constant 0 : i32
      %dma_start3A_540 = tpu.memref_slice %arg3[%dma_start3A_538, %dma_start3A_539] : memref<1000000x64xf32, #tpu.memory_space<hbm>> -> memref<1000000x64xf32, #tpu.memory_space<hbm>>
      tpu.enqueue_indirect_dma source(%dma_start3A_540 : memref<1000000x64xf32, #tpu.memory_space<hbm>>) target(%dma_start3A_534 : memref<72x64xf32, #tpu.memory_space<vmem>>) offsets(%dma_start3A_537 : memref<72xi32, #tpu.memory_space<vmem>>) semaphore(%arg7 : memref<!tpu.dma_semaphore, #tpu.memory_space<semaphore_mem>>)
      %dma_start3A_541 = arith.constant 0 : i32
      %dma_start3A_542 = arith.constant 3 : i32
      %dma_start3A_543 = arith.constant 0 : i32
      %dma_start3A_544 = arith.constant 3 : i32
      %dma_start3A_545 = arith.constant 0 : i32
      %dma_start3A_546 = arith.constant 0 : i32
      %dma_start3A_547 = tpu.memref_slice %arg6[%dma_start3A_543, %dma_start3A_544, %dma_start3A_545, %dma_start3A_546] : memref<2x4x200x64xf32, #tpu.memory_space<vmem>> -> memref<1x1x128x64xf32, #tpu.memory_space<vmem>>
      %dma_start3A_548 = tpu.memref_squeeze %dma_start3A_547 : memref<1x1x128x64xf32, #tpu.memory_space<vmem>> -> memref<128x64xf32, #tpu.memory_space<vmem>>
      %dma_start3A_549 = arith.constant 0 : i32
      %dma_start3A_550 = tpu.memref_slice %arg5[%dma_start3A_541, %dma_start3A_542, %dma_start3A_549] : memref<2x4x200xi32, #tpu.memory_space<vmem>> -> memref<1x1x128xi32, #tpu.memory_space<vmem>>
      %dma_start3A_551 = tpu.memref_squeeze %dma_start3A_550 : memref<1x1x128xi32, #tpu.memory_space<vmem>> -> memref<128xi32, #tpu.memory_space<vmem>>
      %dma_start3A_552 = arith.constant 0 : i32
      %dma_start3A_553 = arith.constant 0 : i32
      %dma_start3A_554 = tpu.memref_slice %arg3[%dma_start3A_552, %dma_start3A_553] : memref<1000000x64xf32, #tpu.memory_space<hbm>> -> memref<1000000x64xf32, #tpu.memory_space<hbm>>
      tpu.enqueue_indirect_dma source(%dma_start3A_554 : memref<1000000x64xf32, #tpu.memory_space<hbm>>) target(%dma_start3A_548 : memref<128x64xf32, #tpu.memory_space<vmem>>) offsets(%dma_start3A_551 : memref<128xi32, #tpu.memory_space<vmem>>) semaphore(%arg7 : memref<!tpu.dma_semaphore, #tpu.memory_space<semaphore_mem>>)
      %dma_start3A_555 = arith.constant 0 : i32
      %dma_start3A_556 = arith.constant 3 : i32
      %dma_start3A_557 = arith.constant 0 : i32
      %dma_start3A_558 = arith.constant 3 : i32
      %dma_start3A_559 = arith.constant 128 : i32
      %dma_start3A_560 = arith.constant 0 : i32
      %dma_start3A_561 = tpu.memref_slice %arg6[%dma_start3A_557, %dma_start3A_558, %dma_start3A_559, %dma_start3A_560] : memref<2x4x200x64xf32, #tpu.memory_space<vmem>> -> memref<1x1x72x64xf32, #tpu.memory_space<vmem>>
      %dma_start3A_562 = tpu.memref_squeeze %dma_start3A_561 : memref<1x1x72x64xf32, #tpu.memory_space<vmem>> -> memref<72x64xf32, #tpu.memory_space<vmem>>
      %dma_start3A_563 = arith.constant 128 : i32
      %dma_start3A_564 = tpu.memref_slice %arg5[%dma_start3A_555, %dma_start3A_556, %dma_start3A_563] : memref<2x4x200xi32, #tpu.memory_space<vmem>> -> memref<1x1x72xi32, #tpu.memory_space<vmem>>
      %dma_start3A_565 = tpu.memref_squeeze %dma_start3A_564 : memref<1x1x72xi32, #tpu.memory_space<vmem>> -> memref<72xi32, #tpu.memory_space<vmem>>
      %dma_start3A_566 = arith.constant 0 : i32
      %dma_start3A_567 = arith.constant 0 : i32
      %dma_start3A_568 = tpu.memref_slice %arg3[%dma_start3A_566, %dma_start3A_567] : memref<1000000x64xf32, #tpu.memory_space<hbm>> -> memref<1000000x64xf32, #tpu.memory_space<hbm>>
      tpu.enqueue_indirect_dma source(%dma_start3A_568 : memref<1000000x64xf32, #tpu.memory_space<hbm>>) target(%dma_start3A_562 : memref<72x64xf32, #tpu.memory_space<vmem>>) offsets(%dma_start3A_565 : memref<72xi32, #tpu.memory_space<vmem>>) semaphore(%arg7 : memref<!tpu.dma_semaphore, #tpu.memory_space<semaphore_mem>>)
      %dma_wait3A_569 = arith.constant 1 : i32
      %dma_wait3A_570 = arith.constant 0 : i32
      %dma_wait3A_571 = arith.constant 0 : i32
      %dma_wait3A_572 = arith.constant 0 : i32
      %dma_wait3A_573 = tpu.memref_slice %arg6[%dma_wait3A_569, %dma_wait3A_570, %dma_wait3A_571, %dma_wait3A_572] : memref<2x4x200x64xf32, #tpu.memory_space<vmem>> -> memref<1x4x200x64xf32, #tpu.memory_space<vmem>>
      %dma_wait3A_574 = tpu.memref_squeeze %dma_wait3A_573 : memref<1x4x200x64xf32, #tpu.memory_space<vmem>> -> memref<4x200x64xf32, #tpu.memory_space<vmem>>
      %dma_wait3A_575 = arith.constant 0 : i32
      %dma_wait3A_576 = arith.constant 0 : i32
      %dma_wait3A_577 = arith.constant 0 : i32
      %dma_wait3A_578 = tpu.memref_slice %arg4[%dma_wait3A_575, %dma_wait3A_576, %dma_wait3A_577] : memref<4096x200x64xf32, #tpu.memory_space<hbm>> -> memref<4x200x64xf32, #tpu.memory_space<hbm>>
      %dma_wait3A_579 = arith.constant 0 : i32
      %dma_wait3A_580 = arith.constant 0 : i32
      %dma_wait3A_581 = arith.constant 0 : i32
      %dma_wait3A_582 = tpu.memref_slice %arg6[%dma_wait3A_569, %dma_wait3A_579, %dma_wait3A_580, %dma_wait3A_581] : memref<2x4x200x64xf32, #tpu.memory_space<vmem>> -> memref<1x4x200x64xf32, #tpu.memory_space<vmem>>
      %dma_wait3A_583 = tpu.memref_squeeze %dma_wait3A_582 : memref<1x4x200x64xf32, #tpu.memory_space<vmem>> -> memref<4x200x64xf32, #tpu.memory_space<vmem>>
      %dma_wait3A_584 = arith.constant 0 : i32
      %dma_wait3A_585 = arith.constant 0 : i32
      %dma_wait3A_586 = arith.constant 0 : i32
      %dma_wait3A_587 = tpu.memref_slice %arg4[%dma_wait3A_584, %dma_wait3A_585, %dma_wait3A_586] : memref<4096x200x64xf32, #tpu.memory_space<hbm>> -> memref<4x200x64xf32, #tpu.memory_space<hbm>>
      tpu.wait_dma2 semaphore(%arg10 : memref<!tpu.dma_semaphore, #tpu.memory_space<semaphore_mem>>) src(%dma_wait3A_587 : memref<4x200x64xf32, #tpu.memory_space<hbm>>) dst(%dma_wait3A_583 : memref<4x200x64xf32, #tpu.memory_space<vmem>>)
      %add3A_588 = arith.constant 3 : i32
      %add3A_589 = arith.addi %mul3A_351, %add3A_588 : i32
      %mul3A_590 = arith.constant 4 : i32
      %mul3A_591 = arith.muli %add3A_589, %mul3A_590 : i32
      %add3A_592 = arith.addi %mul3A_2, %mul3A_591 : i32
      %run_scoped3A_593 = arith.constant 1 : i32
      "tpu.region"() ({
        %run_scoped3A_706 = tpu.sem_alloc : memref<!tpu.dma_semaphore, #tpu.memory_space<semaphore_mem>>
        %dma_start3A_707 = arith.constant 0 : i32
        %dma_start3A_708 = arith.constant 0 : i32
        %dma_start3A_709 = tpu.memref_slice %arg5[%run_scoped3A_593, %dma_start3A_707, %dma_start3A_708] : memref<2x4x200xi32, #tpu.memory_space<vmem>> -> memref<1x4x200xi32, #tpu.memory_space<vmem>>
        %dma_start3A_710 = tpu.memref_squeeze %dma_start3A_709 : memref<1x4x200xi32, #tpu.memory_space<vmem>> -> memref<4x200xi32, #tpu.memory_space<vmem>>
        %dma_start3A_711 = arith.constant 0 : i32
        %dma_start3A_712 = tpu.memref_slice %arg2[%add3A_592, %dma_start3A_711] : memref<4096x200xi32, #tpu.memory_space<hbm>> -> memref<4x200xi32, #tpu.memory_space<hbm>>
        %dma_start3A_713 = arith.constant 0 : i32
        %dma_start3A_714 = arith.constant 0 : i32
        %dma_start3A_715 = tpu.memref_slice %arg5[%run_scoped3A_593, %dma_start3A_713, %dma_start3A_714] : memref<2x4x200xi32, #tpu.memory_space<vmem>> -> memref<1x4x200xi32, #tpu.memory_space<vmem>>
        %dma_start3A_716 = tpu.memref_squeeze %dma_start3A_715 : memref<1x4x200xi32, #tpu.memory_space<vmem>> -> memref<4x200xi32, #tpu.memory_space<vmem>>
        %dma_start3A_717 = arith.constant 0 : i32
        %dma_start3A_718 = tpu.memref_slice %arg2[%add3A_592, %dma_start3A_717] : memref<4096x200xi32, #tpu.memory_space<hbm>> -> memref<4x200xi32, #tpu.memory_space<hbm>>
        tpu.enqueue_dma source(%dma_start3A_718 : memref<4x200xi32, #tpu.memory_space<hbm>>) target(%dma_start3A_716 : memref<4x200xi32, #tpu.memory_space<vmem>>) target_semaphore(%run_scoped3A_706 : memref<!tpu.dma_semaphore, #tpu.memory_space<semaphore_mem>>)
        %dma_wait3A_719 = arith.constant 0 : i32
        %dma_wait3A_720 = arith.constant 0 : i32
        %dma_wait3A_721 = tpu.memref_slice %arg5[%run_scoped3A_593, %dma_wait3A_719, %dma_wait3A_720] : memref<2x4x200xi32, #tpu.memory_space<vmem>> -> memref<1x4x200xi32, #tpu.memory_space<vmem>>
        %dma_wait3A_722 = tpu.memref_squeeze %dma_wait3A_721 : memref<1x4x200xi32, #tpu.memory_space<vmem>> -> memref<4x200xi32, #tpu.memory_space<vmem>>
        %dma_wait3A_723 = arith.constant 0 : i32
        %dma_wait3A_724 = tpu.memref_slice %arg2[%add3A_592, %dma_wait3A_723] : memref<4096x200xi32, #tpu.memory_space<hbm>> -> memref<4x200xi32, #tpu.memory_space<hbm>>
        %dma_wait3A_725 = arith.constant 0 : i32
        %dma_wait3A_726 = arith.constant 0 : i32
        %dma_wait3A_727 = tpu.memref_slice %arg5[%run_scoped3A_593, %dma_wait3A_725, %dma_wait3A_726] : memref<2x4x200xi32, #tpu.memory_space<vmem>> -> memref<1x4x200xi32, #tpu.memory_space<vmem>>
        %dma_wait3A_728 = tpu.memref_squeeze %dma_wait3A_727 : memref<1x4x200xi32, #tpu.memory_space<vmem>> -> memref<4x200xi32, #tpu.memory_space<vmem>>
        %dma_wait3A_729 = arith.constant 0 : i32
        %dma_wait3A_730 = tpu.memref_slice %arg2[%add3A_592, %dma_wait3A_729] : memref<4096x200xi32, #tpu.memory_space<hbm>> -> memref<4x200xi32, #tpu.memory_space<hbm>>
        tpu.wait_dma2 semaphore(%run_scoped3A_706 : memref<!tpu.dma_semaphore, #tpu.memory_space<semaphore_mem>>) src(%dma_wait3A_730 : memref<4x200xi32, #tpu.memory_space<hbm>>) dst(%dma_wait3A_728 : memref<4x200xi32, #tpu.memory_space<vmem>>)
        tpu.yield
      }) : () -> ()
      %dma_start3A_594 = arith.constant 1 : i32
      %dma_start3A_595 = arith.constant 0 : i32
      %dma_start3A_596 = arith.constant 1 : i32
      %dma_start3A_597 = arith.constant 0 : i32
      %dma_start3A_598 = arith.constant 0 : i32
      %dma_start3A_599 = arith.constant 0 : i32
      %dma_start3A_600 = tpu.memref_slice %arg6[%dma_start3A_596, %dma_start3A_597, %dma_start3A_598, %dma_start3A_599] : memref<2x4x200x64xf32, #tpu.memory_space<vmem>> -> memref<1x1x128x64xf32, #tpu.memory_space<vmem>>
      %dma_start3A_601 = tpu.memref_squeeze %dma_start3A_600 : memref<1x1x128x64xf32, #tpu.memory_space<vmem>> -> memref<128x64xf32, #tpu.memory_space<vmem>>
      %dma_start3A_602 = arith.constant 0 : i32
      %dma_start3A_603 = tpu.memref_slice %arg5[%dma_start3A_594, %dma_start3A_595, %dma_start3A_602] : memref<2x4x200xi32, #tpu.memory_space<vmem>> -> memref<1x1x128xi32, #tpu.memory_space<vmem>>
      %dma_start3A_604 = tpu.memref_squeeze %dma_start3A_603 : memref<1x1x128xi32, #tpu.memory_space<vmem>> -> memref<128xi32, #tpu.memory_space<vmem>>
      %dma_start3A_605 = arith.constant 0 : i32
      %dma_start3A_606 = arith.constant 0 : i32
      %dma_start3A_607 = tpu.memref_slice %arg3[%dma_start3A_605, %dma_start3A_606] : memref<1000000x64xf32, #tpu.memory_space<hbm>> -> memref<1000000x64xf32, #tpu.memory_space<hbm>>
      tpu.enqueue_indirect_dma source(%dma_start3A_607 : memref<1000000x64xf32, #tpu.memory_space<hbm>>) target(%dma_start3A_601 : memref<128x64xf32, #tpu.memory_space<vmem>>) offsets(%dma_start3A_604 : memref<128xi32, #tpu.memory_space<vmem>>) semaphore(%arg8 : memref<!tpu.dma_semaphore, #tpu.memory_space<semaphore_mem>>)
      %dma_start3A_608 = arith.constant 1 : i32
      %dma_start3A_609 = arith.constant 0 : i32
      %dma_start3A_610 = arith.constant 1 : i32
      %dma_start3A_611 = arith.constant 0 : i32
      %dma_start3A_612 = arith.constant 128 : i32
      %dma_start3A_613 = arith.constant 0 : i32
      %dma_start3A_614 = tpu.memref_slice %arg6[%dma_start3A_610, %dma_start3A_611, %dma_start3A_612, %dma_start3A_613] : memref<2x4x200x64xf32, #tpu.memory_space<vmem>> -> memref<1x1x72x64xf32, #tpu.memory_space<vmem>>
      %dma_start3A_615 = tpu.memref_squeeze %dma_start3A_614 : memref<1x1x72x64xf32, #tpu.memory_space<vmem>> -> memref<72x64xf32, #tpu.memory_space<vmem>>
      %dma_start3A_616 = arith.constant 128 : i32
      %dma_start3A_617 = tpu.memref_slice %arg5[%dma_start3A_608, %dma_start3A_609, %dma_start3A_616] : memref<2x4x200xi32, #tpu.memory_space<vmem>> -> memref<1x1x72xi32, #tpu.memory_space<vmem>>
      %dma_start3A_618 = tpu.memref_squeeze %dma_start3A_617 : memref<1x1x72xi32, #tpu.memory_space<vmem>> -> memref<72xi32, #tpu.memory_space<vmem>>
      %dma_start3A_619 = arith.constant 0 : i32
      %dma_start3A_620 = arith.constant 0 : i32
      %dma_start3A_621 = tpu.memref_slice %arg3[%dma_start3A_619, %dma_start3A_620] : memref<1000000x64xf32, #tpu.memory_space<hbm>> -> memref<1000000x64xf32, #tpu.memory_space<hbm>>
      tpu.enqueue_indirect_dma source(%dma_start3A_621 : memref<1000000x64xf32, #tpu.memory_space<hbm>>) target(%dma_start3A_615 : memref<72x64xf32, #tpu.memory_space<vmem>>) offsets(%dma_start3A_618 : memref<72xi32, #tpu.memory_space<vmem>>) semaphore(%arg8 : memref<!tpu.dma_semaphore, #tpu.memory_space<semaphore_mem>>)
      %dma_start3A_622 = arith.constant 1 : i32
      %dma_start3A_623 = arith.constant 1 : i32
      %dma_start3A_624 = arith.constant 1 : i32
      %dma_start3A_625 = arith.constant 1 : i32
      %dma_start3A_626 = arith.constant 0 : i32
      %dma_start3A_627 = arith.constant 0 : i32
      %dma_start3A_628 = tpu.memref_slice %arg6[%dma_start3A_624, %dma_start3A_625, %dma_start3A_626, %dma_start3A_627] : memref<2x4x200x64xf32, #tpu.memory_space<vmem>> -> memref<1x1x128x64xf32, #tpu.memory_space<vmem>>
      %dma_start3A_629 = tpu.memref_squeeze %dma_start3A_628 : memref<1x1x128x64xf32, #tpu.memory_space<vmem>> -> memref<128x64xf32, #tpu.memory_space<vmem>>
      %dma_start3A_630 = arith.constant 0 : i32
      %dma_start3A_631 = tpu.memref_slice %arg5[%dma_start3A_622, %dma_start3A_623, %dma_start3A_630] : memref<2x4x200xi32, #tpu.memory_space<vmem>> -> memref<1x1x128xi32, #tpu.memory_space<vmem>>
      %dma_start3A_632 = tpu.memref_squeeze %dma_start3A_631 : memref<1x1x128xi32, #tpu.memory_space<vmem>> -> memref<128xi32, #tpu.memory_space<vmem>>
      %dma_start3A_633 = arith.constant 0 : i32
      %dma_start3A_634 = arith.constant 0 : i32
      %dma_start3A_635 = tpu.memref_slice %arg3[%dma_start3A_633, %dma_start3A_634] : memref<1000000x64xf32, #tpu.memory_space<hbm>> -> memref<1000000x64xf32, #tpu.memory_space<hbm>>
      tpu.enqueue_indirect_dma source(%dma_start3A_635 : memref<1000000x64xf32, #tpu.memory_space<hbm>>) target(%dma_start3A_629 : memref<128x64xf32, #tpu.memory_space<vmem>>) offsets(%dma_start3A_632 : memref<128xi32, #tpu.memory_space<vmem>>) semaphore(%arg8 : memref<!tpu.dma_semaphore, #tpu.memory_space<semaphore_mem>>)
      %dma_start3A_636 = arith.constant 1 : i32
      %dma_start3A_637 = arith.constant 1 : i32
      %dma_start3A_638 = arith.constant 1 : i32
      %dma_start3A_639 = arith.constant 1 : i32
      %dma_start3A_640 = arith.constant 128 : i32
      %dma_start3A_641 = arith.constant 0 : i32
      %dma_start3A_642 = tpu.memref_slice %arg6[%dma_start3A_638, %dma_start3A_639, %dma_start3A_640, %dma_start3A_641] : memref<2x4x200x64xf32, #tpu.memory_space<vmem>> -> memref<1x1x72x64xf32, #tpu.memory_space<vmem>>
      %dma_start3A_643 = tpu.memref_squeeze %dma_start3A_642 : memref<1x1x72x64xf32, #tpu.memory_space<vmem>> -> memref<72x64xf32, #tpu.memory_space<vmem>>
      %dma_start3A_644 = arith.constant 128 : i32
      %dma_start3A_645 = tpu.memref_slice %arg5[%dma_start3A_636, %dma_start3A_637, %dma_start3A_644] : memref<2x4x200xi32, #tpu.memory_space<vmem>> -> memref<1x1x72xi32, #tpu.memory_space<vmem>>
      %dma_start3A_646 = tpu.memref_squeeze %dma_start3A_645 : memref<1x1x72xi32, #tpu.memory_space<vmem>> -> memref<72xi32, #tpu.memory_space<vmem>>
      %dma_start3A_647 = arith.constant 0 : i32
      %dma_start3A_648 = arith.constant 0 : i32
      %dma_start3A_649 = tpu.memref_slice %arg3[%dma_start3A_647, %dma_start3A_648] : memref<1000000x64xf32, #tpu.memory_space<hbm>> -> memref<1000000x64xf32, #tpu.memory_space<hbm>>
      tpu.enqueue_indirect_dma source(%dma_start3A_649 : memref<1000000x64xf32, #tpu.memory_space<hbm>>) target(%dma_start3A_643 : memref<72x64xf32, #tpu.memory_space<vmem>>) offsets(%dma_start3A_646 : memref<72xi32, #tpu.memory_space<vmem>>) semaphore(%arg8 : memref<!tpu.dma_semaphore, #tpu.memory_space<semaphore_mem>>)
      %dma_start3A_650 = arith.constant 1 : i32
      %dma_start3A_651 = arith.constant 2 : i32
      %dma_start3A_652 = arith.constant 1 : i32
      %dma_start3A_653 = arith.constant 2 : i32
      %dma_start3A_654 = arith.constant 0 : i32
      %dma_start3A_655 = arith.constant 0 : i32
      %dma_start3A_656 = tpu.memref_slice %arg6[%dma_start3A_652, %dma_start3A_653, %dma_start3A_654, %dma_start3A_655] : memref<2x4x200x64xf32, #tpu.memory_space<vmem>> -> memref<1x1x128x64xf32, #tpu.memory_space<vmem>>
      %dma_start3A_657 = tpu.memref_squeeze %dma_start3A_656 : memref<1x1x128x64xf32, #tpu.memory_space<vmem>> -> memref<128x64xf32, #tpu.memory_space<vmem>>
      %dma_start3A_658 = arith.constant 0 : i32
      %dma_start3A_659 = tpu.memref_slice %arg5[%dma_start3A_650, %dma_start3A_651, %dma_start3A_658] : memref<2x4x200xi32, #tpu.memory_space<vmem>> -> memref<1x1x128xi32, #tpu.memory_space<vmem>>
      %dma_start3A_660 = tpu.memref_squeeze %dma_start3A_659 : memref<1x1x128xi32, #tpu.memory_space<vmem>> -> memref<128xi32, #tpu.memory_space<vmem>>
      %dma_start3A_661 = arith.constant 0 : i32
      %dma_start3A_662 = arith.constant 0 : i32
      %dma_start3A_663 = tpu.memref_slice %arg3[%dma_start3A_661, %dma_start3A_662] : memref<1000000x64xf32, #tpu.memory_space<hbm>> -> memref<1000000x64xf32, #tpu.memory_space<hbm>>
      tpu.enqueue_indirect_dma source(%dma_start3A_663 : memref<1000000x64xf32, #tpu.memory_space<hbm>>) target(%dma_start3A_657 : memref<128x64xf32, #tpu.memory_space<vmem>>) offsets(%dma_start3A_660 : memref<128xi32, #tpu.memory_space<vmem>>) semaphore(%arg8 : memref<!tpu.dma_semaphore, #tpu.memory_space<semaphore_mem>>)
      %dma_start3A_664 = arith.constant 1 : i32
      %dma_start3A_665 = arith.constant 2 : i32
      %dma_start3A_666 = arith.constant 1 : i32
      %dma_start3A_667 = arith.constant 2 : i32
      %dma_start3A_668 = arith.constant 128 : i32
      %dma_start3A_669 = arith.constant 0 : i32
      %dma_start3A_670 = tpu.memref_slice %arg6[%dma_start3A_666, %dma_start3A_667, %dma_start3A_668, %dma_start3A_669] : memref<2x4x200x64xf32, #tpu.memory_space<vmem>> -> memref<1x1x72x64xf32, #tpu.memory_space<vmem>>
      %dma_start3A_671 = tpu.memref_squeeze %dma_start3A_670 : memref<1x1x72x64xf32, #tpu.memory_space<vmem>> -> memref<72x64xf32, #tpu.memory_space<vmem>>
      %dma_start3A_672 = arith.constant 128 : i32
      %dma_start3A_673 = tpu.memref_slice %arg5[%dma_start3A_664, %dma_start3A_665, %dma_start3A_672] : memref<2x4x200xi32, #tpu.memory_space<vmem>> -> memref<1x1x72xi32, #tpu.memory_space<vmem>>
      %dma_start3A_674 = tpu.memref_squeeze %dma_start3A_673 : memref<1x1x72xi32, #tpu.memory_space<vmem>> -> memref<72xi32, #tpu.memory_space<vmem>>
      %dma_start3A_675 = arith.constant 0 : i32
      %dma_start3A_676 = arith.constant 0 : i32
      %dma_start3A_677 = tpu.memref_slice %arg3[%dma_start3A_675, %dma_start3A_676] : memref<1000000x64xf32, #tpu.memory_space<hbm>> -> memref<1000000x64xf32, #tpu.memory_space<hbm>>
      tpu.enqueue_indirect_dma source(%dma_start3A_677 : memref<1000000x64xf32, #tpu.memory_space<hbm>>) target(%dma_start3A_671 : memref<72x64xf32, #tpu.memory_space<vmem>>) offsets(%dma_start3A_674 : memref<72xi32, #tpu.memory_space<vmem>>) semaphore(%arg8 : memref<!tpu.dma_semaphore, #tpu.memory_space<semaphore_mem>>)
      %dma_start3A_678 = arith.constant 1 : i32
      %dma_start3A_679 = arith.constant 3 : i32
      %dma_start3A_680 = arith.constant 1 : i32
      %dma_start3A_681 = arith.constant 3 : i32
      %dma_start3A_682 = arith.constant 0 : i32
      %dma_start3A_683 = arith.constant 0 : i32
      %dma_start3A_684 = tpu.memref_slice %arg6[%dma_start3A_680, %dma_start3A_681, %dma_start3A_682, %dma_start3A_683] : memref<2x4x200x64xf32, #tpu.memory_space<vmem>> -> memref<1x1x128x64xf32, #tpu.memory_space<vmem>>
      %dma_start3A_685 = tpu.memref_squeeze %dma_start3A_684 : memref<1x1x128x64xf32, #tpu.memory_space<vmem>> -> memref<128x64xf32, #tpu.memory_space<vmem>>
      %dma_start3A_686 = arith.constant 0 : i32
      %dma_start3A_687 = tpu.memref_slice %arg5[%dma_start3A_678, %dma_start3A_679, %dma_start3A_686] : memref<2x4x200xi32, #tpu.memory_space<vmem>> -> memref<1x1x128xi32, #tpu.memory_space<vmem>>
      %dma_start3A_688 = tpu.memref_squeeze %dma_start3A_687 : memref<1x1x128xi32, #tpu.memory_space<vmem>> -> memref<128xi32, #tpu.memory_space<vmem>>
      %dma_start3A_689 = arith.constant 0 : i32
      %dma_start3A_690 = arith.constant 0 : i32
      %dma_start3A_691 = tpu.memref_slice %arg3[%dma_start3A_689, %dma_start3A_690] : memref<1000000x64xf32, #tpu.memory_space<hbm>> -> memref<1000000x64xf32, #tpu.memory_space<hbm>>
      tpu.enqueue_indirect_dma source(%dma_start3A_691 : memref<1000000x64xf32, #tpu.memory_space<hbm>>) target(%dma_start3A_685 : memref<128x64xf32, #tpu.memory_space<vmem>>) offsets(%dma_start3A_688 : memref<128xi32, #tpu.memory_space<vmem>>) semaphore(%arg8 : memref<!tpu.dma_semaphore, #tpu.memory_space<semaphore_mem>>)
      %dma_start3A_692 = arith.constant 1 : i32
      %dma_start3A_693 = arith.constant 3 : i32
      %dma_start3A_694 = arith.constant 1 : i32
      %dma_start3A_695 = arith.constant 3 : i32
      %dma_start3A_696 = arith.constant 128 : i32
      %dma_start3A_697 = arith.constant 0 : i32
      %dma_start3A_698 = tpu.memref_slice %arg6[%dma_start3A_694, %dma_start3A_695, %dma_start3A_696, %dma_start3A_697] : memref<2x4x200x64xf32, #tpu.memory_space<vmem>> -> memref<1x1x72x64xf32, #tpu.memory_space<vmem>>
      %dma_start3A_699 = tpu.memref_squeeze %dma_start3A_698 : memref<1x1x72x64xf32, #tpu.memory_space<vmem>> -> memref<72x64xf32, #tpu.memory_space<vmem>>
      %dma_start3A_700 = arith.constant 128 : i32
      %dma_start3A_701 = tpu.memref_slice %arg5[%dma_start3A_692, %dma_start3A_693, %dma_start3A_700] : memref<2x4x200xi32, #tpu.memory_space<vmem>> -> memref<1x1x72xi32, #tpu.memory_space<vmem>>
      %dma_start3A_702 = tpu.memref_squeeze %dma_start3A_701 : memref<1x1x72xi32, #tpu.memory_space<vmem>> -> memref<72xi32, #tpu.memory_space<vmem>>
      %dma_start3A_703 = arith.constant 0 : i32
      %dma_start3A_704 = arith.constant 0 : i32
      %dma_start3A_705 = tpu.memref_slice %arg3[%dma_start3A_703, %dma_start3A_704] : memref<1000000x64xf32, #tpu.memory_space<hbm>> -> memref<1000000x64xf32, #tpu.memory_space<hbm>>
      tpu.enqueue_indirect_dma source(%dma_start3A_705 : memref<1000000x64xf32, #tpu.memory_space<hbm>>) target(%dma_start3A_699 : memref<72x64xf32, #tpu.memory_space<vmem>>) offsets(%dma_start3A_702 : memref<72xi32, #tpu.memory_space<vmem>>) semaphore(%arg8 : memref<!tpu.dma_semaphore, #tpu.memory_space<semaphore_mem>>)
    }
    %scan3A_235 = arith.constant 15 : i32
    %dma_wait3A = arith.constant 0 : i32
    %dma_wait3A_236 = arith.constant 0 : i32
    %dma_wait3A_237 = arith.constant 0 : i32
    %dma_wait3A_238 = arith.constant 0 : i32
    %dma_wait3A_239 = tpu.memref_slice %arg6[%dma_wait3A, %dma_wait3A_236, %dma_wait3A_237, %dma_wait3A_238] : memref<2x4x200x64xf32, #tpu.memory_space<vmem>> -> memref<1x4x200x64xf32, #tpu.memory_space<vmem>>
    %dma_wait3A_240 = tpu.memref_squeeze %dma_wait3A_239 : memref<1x4x200x64xf32, #tpu.memory_space<vmem>> -> memref<4x200x64xf32, #tpu.memory_space<vmem>>
    %dma_wait3A_241 = arith.constant 0 : i32
    %dma_wait3A_242 = arith.constant 0 : i32
    %dma_wait3A_243 = arith.constant 0 : i32
    %dma_wait3A_244 = tpu.memref_slice %arg4[%dma_wait3A_241, %dma_wait3A_242, %dma_wait3A_243] : memref<4096x200x64xf32, #tpu.memory_space<hbm>> -> memref<4x200x64xf32, #tpu.memory_space<hbm>>
    %dma_wait3A_245 = arith.constant 0 : i32
    %dma_wait3A_246 = arith.constant 0 : i32
    %dma_wait3A_247 = arith.constant 0 : i32
    %dma_wait3A_248 = tpu.memref_slice %arg6[%dma_wait3A, %dma_wait3A_245, %dma_wait3A_246, %dma_wait3A_247] : memref<2x4x200x64xf32, #tpu.memory_space<vmem>> -> memref<1x4x200x64xf32, #tpu.memory_space<vmem>>
    %dma_wait3A_249 = tpu.memref_squeeze %dma_wait3A_248 : memref<1x4x200x64xf32, #tpu.memory_space<vmem>> -> memref<4x200x64xf32, #tpu.memory_space<vmem>>
    %dma_wait3A_250 = arith.constant 0 : i32
    %dma_wait3A_251 = arith.constant 0 : i32
    %dma_wait3A_252 = arith.constant 0 : i32
    %dma_wait3A_253 = tpu.memref_slice %arg4[%dma_wait3A_250, %dma_wait3A_251, %dma_wait3A_252] : memref<4096x200x64xf32, #tpu.memory_space<hbm>> -> memref<4x200x64xf32, #tpu.memory_space<hbm>>
    tpu.wait_dma2 semaphore(%arg7 : memref<!tpu.dma_semaphore, #tpu.memory_space<semaphore_mem>>) src(%dma_wait3A_253 : memref<4x200x64xf32, #tpu.memory_space<hbm>>) dst(%dma_wait3A_249 : memref<4x200x64xf32, #tpu.memory_space<vmem>>)
    %add3A_254 = arith.constant 120 : i32
    %add3A_255 = arith.addi %mul3A_2, %add3A_254 : i32
    %dma_start3A_256 = arith.constant 0 : i32
    %dma_start3A_257 = arith.constant 0 : i32
    %dma_start3A_258 = arith.constant 0 : i32
    %dma_start3A_259 = arith.constant 0 : i32
    %dma_start3A_260 = tpu.memref_slice %arg6[%dma_start3A_256, %dma_start3A_257, %dma_start3A_258, %dma_start3A_259] : memref<2x4x200x64xf32, #tpu.memory_space<vmem>> -> memref<1x4x200x64xf32, #tpu.memory_space<vmem>>
    %dma_start3A_261 = tpu.memref_squeeze %dma_start3A_260 : memref<1x4x200x64xf32, #tpu.memory_space<vmem>> -> memref<4x200x64xf32, #tpu.memory_space<vmem>>
    %dma_start3A_262 = arith.constant 0 : i32
    %dma_start3A_263 = arith.constant 0 : i32
    %dma_start3A_264 = tpu.memref_slice %arg4[%add3A_255, %dma_start3A_262, %dma_start3A_263] : memref<4096x200x64xf32, #tpu.memory_space<hbm>> -> memref<4x200x64xf32, #tpu.memory_space<hbm>>
    %dma_start3A_265 = arith.constant 0 : i32
    %dma_start3A_266 = arith.constant 0 : i32
    %dma_start3A_267 = tpu.memref_slice %arg4[%add3A_255, %dma_start3A_265, %dma_start3A_266] : memref<4096x200x64xf32, #tpu.memory_space<hbm>> -> memref<4x200x64xf32, #tpu.memory_space<hbm>>
    %dma_start3A_268 = arith.constant 0 : i32
    %dma_start3A_269 = arith.constant 0 : i32
    %dma_start3A_270 = arith.constant 0 : i32
    %dma_start3A_271 = tpu.memref_slice %arg6[%dma_start3A_256, %dma_start3A_268, %dma_start3A_269, %dma_start3A_270] : memref<2x4x200x64xf32, #tpu.memory_space<vmem>> -> memref<1x4x200x64xf32, #tpu.memory_space<vmem>>
    %dma_start3A_272 = tpu.memref_squeeze %dma_start3A_271 : memref<1x4x200x64xf32, #tpu.memory_space<vmem>> -> memref<4x200x64xf32, #tpu.memory_space<vmem>>
    tpu.enqueue_dma source(%dma_start3A_272 : memref<4x200x64xf32, #tpu.memory_space<vmem>>) target(%dma_start3A_267 : memref<4x200x64xf32, #tpu.memory_space<hbm>>) target_semaphore(%arg9 : memref<!tpu.dma_semaphore, #tpu.memory_space<semaphore_mem>>)
    %dma_wait3A_273 = arith.constant 1 : i32
    %dma_wait3A_274 = arith.constant 0 : i32
    %dma_wait3A_275 = arith.constant 0 : i32
    %dma_wait3A_276 = arith.constant 0 : i32
    %dma_wait3A_277 = tpu.memref_slice %arg6[%dma_wait3A_273, %dma_wait3A_274, %dma_wait3A_275, %dma_wait3A_276] : memref<2x4x200x64xf32, #tpu.memory_space<vmem>> -> memref<1x4x200x64xf32, #tpu.memory_space<vmem>>
    %dma_wait3A_278 = tpu.memref_squeeze %dma_wait3A_277 : memref<1x4x200x64xf32, #tpu.memory_space<vmem>> -> memref<4x200x64xf32, #tpu.memory_space<vmem>>
    %dma_wait3A_279 = arith.constant 0 : i32
    %dma_wait3A_280 = arith.constant 0 : i32
    %dma_wait3A_281 = arith.constant 0 : i32
    %dma_wait3A_282 = tpu.memref_slice %arg4[%dma_wait3A_279, %dma_wait3A_280, %dma_wait3A_281] : memref<4096x200x64xf32, #tpu.memory_space<hbm>> -> memref<4x200x64xf32, #tpu.memory_space<hbm>>
    %dma_wait3A_283 = arith.constant 0 : i32
    %dma_wait3A_284 = arith.constant 0 : i32
    %dma_wait3A_285 = arith.constant 0 : i32
    %dma_wait3A_286 = tpu.memref_slice %arg6[%dma_wait3A_273, %dma_wait3A_283, %dma_wait3A_284, %dma_wait3A_285] : memref<2x4x200x64xf32, #tpu.memory_space<vmem>> -> memref<1x4x200x64xf32, #tpu.memory_space<vmem>>
    %dma_wait3A_287 = tpu.memref_squeeze %dma_wait3A_286 : memref<1x4x200x64xf32, #tpu.memory_space<vmem>> -> memref<4x200x64xf32, #tpu.memory_space<vmem>>
    %dma_wait3A_288 = arith.constant 0 : i32
    %dma_wait3A_289 = arith.constant 0 : i32
    %dma_wait3A_290 = arith.constant 0 : i32
    %dma_wait3A_291 = tpu.memref_slice %arg4[%dma_wait3A_288, %dma_wait3A_289, %dma_wait3A_290] : memref<4096x200x64xf32, #tpu.memory_space<hbm>> -> memref<4x200x64xf32, #tpu.memory_space<hbm>>
    tpu.wait_dma2 semaphore(%arg8 : memref<!tpu.dma_semaphore, #tpu.memory_space<semaphore_mem>>) src(%dma_wait3A_291 : memref<4x200x64xf32, #tpu.memory_space<hbm>>) dst(%dma_wait3A_287 : memref<4x200x64xf32, #tpu.memory_space<vmem>>)
    %add3A_292 = arith.constant 124 : i32
    %add3A_293 = arith.addi %mul3A_2, %add3A_292 : i32
    %dma_start3A_294 = arith.constant 1 : i32
    %dma_start3A_295 = arith.constant 0 : i32
    %dma_start3A_296 = arith.constant 0 : i32
    %dma_start3A_297 = arith.constant 0 : i32
    %dma_start3A_298 = tpu.memref_slice %arg6[%dma_start3A_294, %dma_start3A_295, %dma_start3A_296, %dma_start3A_297] : memref<2x4x200x64xf32, #tpu.memory_space<vmem>> -> memref<1x4x200x64xf32, #tpu.memory_space<vmem>>
    %dma_start3A_299 = tpu.memref_squeeze %dma_start3A_298 : memref<1x4x200x64xf32, #tpu.memory_space<vmem>> -> memref<4x200x64xf32, #tpu.memory_space<vmem>>
    %dma_start3A_300 = arith.constant 0 : i32
    %dma_start3A_301 = arith.constant 0 : i32
    %dma_start3A_302 = tpu.memref_slice %arg4[%add3A_293, %dma_start3A_300, %dma_start3A_301] : memref<4096x200x64xf32, #tpu.memory_space<hbm>> -> memref<4x200x64xf32, #tpu.memory_space<hbm>>
    %dma_start3A_303 = arith.constant 0 : i32
    %dma_start3A_304 = arith.constant 0 : i32
    %dma_start3A_305 = tpu.memref_slice %arg4[%add3A_293, %dma_start3A_303, %dma_start3A_304] : memref<4096x200x64xf32, #tpu.memory_space<hbm>> -> memref<4x200x64xf32, #tpu.memory_space<hbm>>
    %dma_start3A_306 = arith.constant 0 : i32
    %dma_start3A_307 = arith.constant 0 : i32
    %dma_start3A_308 = arith.constant 0 : i32
    %dma_start3A_309 = tpu.memref_slice %arg6[%dma_start3A_294, %dma_start3A_306, %dma_start3A_307, %dma_start3A_308] : memref<2x4x200x64xf32, #tpu.memory_space<vmem>> -> memref<1x4x200x64xf32, #tpu.memory_space<vmem>>
    %dma_start3A_310 = tpu.memref_squeeze %dma_start3A_309 : memref<1x4x200x64xf32, #tpu.memory_space<vmem>> -> memref<4x200x64xf32, #tpu.memory_space<vmem>>
    tpu.enqueue_dma source(%dma_start3A_310 : memref<4x200x64xf32, #tpu.memory_space<vmem>>) target(%dma_start3A_305 : memref<4x200x64xf32, #tpu.memory_space<hbm>>) target_semaphore(%arg10 : memref<!tpu.dma_semaphore, #tpu.memory_space<semaphore_mem>>)
    %dma_wait3A_311 = arith.constant 0 : i32
    %dma_wait3A_312 = arith.constant 0 : i32
    %dma_wait3A_313 = arith.constant 0 : i32
    %dma_wait3A_314 = arith.constant 0 : i32
    %dma_wait3A_315 = tpu.memref_slice %arg6[%dma_wait3A_311, %dma_wait3A_312, %dma_wait3A_313, %dma_wait3A_314] : memref<2x4x200x64xf32, #tpu.memory_space<vmem>> -> memref<1x4x200x64xf32, #tpu.memory_space<vmem>>
    %dma_wait3A_316 = tpu.memref_squeeze %dma_wait3A_315 : memref<1x4x200x64xf32, #tpu.memory_space<vmem>> -> memref<4x200x64xf32, #tpu.memory_space<vmem>>
    %dma_wait3A_317 = arith.constant 0 : i32
    %dma_wait3A_318 = arith.constant 0 : i32
    %dma_wait3A_319 = arith.constant 0 : i32
    %dma_wait3A_320 = tpu.memref_slice %arg4[%dma_wait3A_317, %dma_wait3A_318, %dma_wait3A_319] : memref<4096x200x64xf32, #tpu.memory_space<hbm>> -> memref<4x200x64xf32, #tpu.memory_space<hbm>>
    %dma_wait3A_321 = arith.constant 0 : i32
    %dma_wait3A_322 = arith.constant 0 : i32
    %dma_wait3A_323 = arith.constant 0 : i32
    %dma_wait3A_324 = tpu.memref_slice %arg6[%dma_wait3A_311, %dma_wait3A_321, %dma_wait3A_322, %dma_wait3A_323] : memref<2x4x200x64xf32, #tpu.memory_space<vmem>> -> memref<1x4x200x64xf32, #tpu.memory_space<vmem>>
    %dma_wait3A_325 = tpu.memref_squeeze %dma_wait3A_324 : memref<1x4x200x64xf32, #tpu.memory_space<vmem>> -> memref<4x200x64xf32, #tpu.memory_space<vmem>>
    %dma_wait3A_326 = arith.constant 0 : i32
    %dma_wait3A_327 = arith.constant 0 : i32
    %dma_wait3A_328 = arith.constant 0 : i32
    %dma_wait3A_329 = tpu.memref_slice %arg4[%dma_wait3A_326, %dma_wait3A_327, %dma_wait3A_328] : memref<4096x200x64xf32, #tpu.memory_space<hbm>> -> memref<4x200x64xf32, #tpu.memory_space<hbm>>
    tpu.wait_dma2 semaphore(%arg9 : memref<!tpu.dma_semaphore, #tpu.memory_space<semaphore_mem>>) src(%dma_wait3A_329 : memref<4x200x64xf32, #tpu.memory_space<hbm>>) dst(%dma_wait3A_325 : memref<4x200x64xf32, #tpu.memory_space<vmem>>)
    %dma_wait3A_330 = arith.constant 1 : i32
    %dma_wait3A_331 = arith.constant 0 : i32
    %dma_wait3A_332 = arith.constant 0 : i32
    %dma_wait3A_333 = arith.constant 0 : i32
    %dma_wait3A_334 = tpu.memref_slice %arg6[%dma_wait3A_330, %dma_wait3A_331, %dma_wait3A_332, %dma_wait3A_333] : memref<2x4x200x64xf32, #tpu.memory_space<vmem>> -> memref<1x4x200x64xf32, #tpu.memory_space<vmem>>
    %dma_wait3A_335 = tpu.memref_squeeze %dma_wait3A_334 : memref<1x4x200x64xf32, #tpu.memory_space<vmem>> -> memref<4x200x64xf32, #tpu.memory_space<vmem>>
    %dma_wait3A_336 = arith.constant 0 : i32
    %dma_wait3A_337 = arith.constant 0 : i32
    %dma_wait3A_338 = arith.constant 0 : i32
    %dma_wait3A_339 = tpu.memref_slice %arg4[%dma_wait3A_336, %dma_wait3A_337, %dma_wait3A_338] : memref<4096x200x64xf32, #tpu.memory_space<hbm>> -> memref<4x200x64xf32, #tpu.memory_space<hbm>>
    %dma_wait3A_340 = arith.constant 0 : i32
    %dma_wait3A_341 = arith.constant 0 : i32
    %dma_wait3A_342 = arith.constant 0 : i32
    %dma_wait3A_343 = tpu.memref_slice %arg6[%dma_wait3A_330, %dma_wait3A_340, %dma_wait3A_341, %dma_wait3A_342] : memref<2x4x200x64xf32, #tpu.memory_space<vmem>> -> memref<1x4x200x64xf32, #tpu.memory_space<vmem>>
    %dma_wait3A_344 = tpu.memref_squeeze %dma_wait3A_343 : memref<1x4x200x64xf32, #tpu.memory_space<vmem>> -> memref<4x200x64xf32, #tpu.memory_space<vmem>>
    %dma_wait3A_345 = arith.constant 0 : i32
    %dma_wait3A_346 = arith.constant 0 : i32
    %dma_wait3A_347 = arith.constant 0 : i32
    %dma_wait3A_348 = tpu.memref_slice %arg4[%dma_wait3A_345, %dma_wait3A_346, %dma_wait3A_347] : memref<4096x200x64xf32, #tpu.memory_space<hbm>> -> memref<4x200x64xf32, #tpu.memory_space<hbm>>
    tpu.wait_dma2 semaphore(%arg10 : memref<!tpu.dma_semaphore, #tpu.memory_space<semaphore_mem>>) src(%dma_wait3A_348 : memref<4x200x64xf32, #tpu.memory_space<hbm>>) dst(%dma_wait3A_344 : memref<4x200x64xf32, #tpu.memory_space<vmem>>)
    return
  }
}

</mosaic_0001>

<sc_bundles>
// kernel: kernel.3.cloned.1.call-start
scs
__scs_entry_jumppad:
0x0: {  	(pc) =	sbr.rel $0x88, $3  }
0x1: {  	(tag) =	ssettag $0x0;
	lr =	simm.s32 $0x1  }
0x2: {  	[smem:$0x3F9F] =	sst lr;
	_ =	strace $0xD0000000  }
0x3: {  	_ = 	snop  }
0x4: {  	_ = 	snop  }
0x5: {  	_ = 	snop  }
0x6: {  	_ = 	snop  }
0x7: {  	_ = 	snop  }
__scs_overlays_trampoline_lowered:
0x8: {  	[smem:$0x3FAE] =	sst s0  }
0x9: {  	[smem:$0x3FAF] =	sst s1  }
0xa: {  	[smem:$0x3FB0] =	sst s2  }
0xb: {  	[smem:$0x3FB1] =	sst s3  }
0xc: {  	[smem:$0x3FB2] =	sst s4  }
0xd: {  	[smem:$0x3FB3] =	sst s5  }
0xe: {  	[smem:$0x3FB4] =	sst s6  }
0xf: {  	[smem:$0x3FB5] =	sst s7  }
0x10: {  	[smem:$0x3FB6] =	sst s8  }
0x11: {  	[smem:$0x3FB7] =	sst s9;
	s0 =	simm.s32 @!p0 $0x0  }
0x12: {  	s1 =	sld [smem:$0x3F9D];
	s0 =	simm.s32 @p0 $0x1  }
0x13: {  	[smem:$0x3FB8] =	sst s0;
	s0 =	simm.s32 @!p1 $0x0  }
0x14: {  	s2 =	sld [smem:$0x3F9C];
	s0 =	simm.s32 @p1 $0x1  }
0x15: {  	[smem:$0x3FB9] =	sst s0;
	s0 =	simm.s32 @!p2 $0x0  }
0x16: {  	s3 =	sld [smem:$0x3FDB];
	s0 =	simm.s32 @p2 $0x1  }
0x17: {  	s4 =	simm.s32 $0x1BF5;
	[smem:$0x3FBB] =	sst s0  }
0x18: {  	s0 =	sld [smem:$0x3F9E];
	_ =	swait.ge [sflag:s4], $0x0  }
0x19: {  	s7 =	sld [smem:$0x3F9F]  }
0x1a: {  	s8 =	sadd.s32 $0xFFFFE003, lr  }
0x1b: {  	s9 =	sadd.s32 $0xFFFFFEF7, lr;
	s5 =	simm.s32 $0xFFFFFFFF;
	p2 =	slt.u32 s8, $0xFFFFF086  }
0x1c: {  	p1 =	slt.u32 s9, $0xF7A;
	s5 =	simm.s32 @!p2 $0x0  }
0x1d: {  	s5 =	simm.s32 @p1 $0x1;
	p0 =	seq.s32 s7, s2  }
0x1e: {  	s7 =	smul.u32 @!p0 $0xF7A, s2;
	p2 =	seq.s32 @!p0 s5, $0x0  }
0x1f: {  	s9 =	smul.u32 $0xF7A, s1;
	s8 =	simm.s32 @!p0 $0x1BF5;
	p2 =	por !p2, p0  }
0x20: {  	[sflag:s8] =	ssyncset.s32 @!p0 $0xFFFFF086;
	s6 =	sadd.s32 @!p0 s3, s7;
	s7 =	simm.s32 @!p0 $0x108  }
0x21: {  	s3 =	sadd.s32 s3, s9;
	s6 =	sadd.s32 @!p0 $0x88, s6;
	s7 =	simm.s32 @p2 $0x1082  }
0x22: {  	[simem:s7], [sflag:s8] =	dma.local @!p0 [hbm:s6], $0xF7A  }
0x23: {  	s9 =	sor.u32 $0xD0000000, s2;
	s6 =	simm.s32 $0x108;
	_ =	swait.ge @!p0 [sflag:s8], $0x0  }
0x24: {  	s3 =	sadd.s32 $0x88, s3;
	s6 =	simm.s32 @!p1 $0x1082;
	[sflag:s4] =	ssyncset.s32 $0xFFFFF086  }
0x25: {  	[simem:s6], [sflag:s4] =	dma.local [hbm:s3], $0xF7A  }
0x26: {  	[smem:$0x3F9F] =	sst s1;
	(tag) =	ssettag s2;
	_ =	strace s9  }
0x27: {  	s1 =	sld [smem:$0x3FAF]  }
0x28: {  	s2 =	sld [smem:$0x3FB0]  }
0x29: {  	s4 =	sld [smem:$0x3FB2]  }
0x2a: {  	p0 =	seq.s32 s5, $0x0;
	s5 =	sld [smem:$0x3FB3]  }
0x2b: {  	s6 =	sld [smem:$0x3FB4]  }
0x2c: {  	s7 =	sld [smem:$0x3FB5]  }
0x2d: {  	s3 =	simm.s32 $0x108;
	s8 =	sld [smem:$0x3FB6]  }
0x2e: {  	s3 =	simm.s32 @!p0 $0x1082;
	s9 =	sld [smem:$0x3FB7]  }
0x2f: {  	lr =	sadd.s32 s0, s3;
	s0 =	sld [smem:$0x3FAE]  }
0x30: {  	s3 =	sld [smem:$0x3FB1]  }
0x31: {  	[smem:$0x3FBA] =	sst s10  }
0x32: {  	s10 =	sld [smem:$0x3FB8];
	_ =	sdelay $0x3  }
0x33: {  	p0 =	seq.s32 s10, $0x1;
	s10 =	sld [smem:$0x3FBA];
	_ =	sdelay $0x3  }
0x34: {  	[smem:$0x3FBA] =	sst s10  }
0x35: {  	s10 =	sld [smem:$0x3FB9];
	_ =	sdelay $0x3  }
0x36: {  	p1 =	seq.s32 s10, $0x1;
	s10 =	sld [smem:$0x3FBA];
	_ =	sdelay $0x3  }
0x37: {  	[smem:$0x3FBA] =	sst s10  }
0x38: {  	s10 =	sld [smem:$0x3FBB]  }
0x39: {  	_ = 	snop;
	(pc) =	sbr.ind lr, $3  }
0x3a: {  	_ = 	snop  }
0x3b: {  	_ = 	snop  }
0x3c: {  	p2 =	seq.s32 s10, $0x1;
	s10 =	sld [smem:$0x3FBA]  }
0x3d: {  	_ =	shalt  }
0x3e: {  	_ =	shalt  }
0x3f: {  	_ =	shalt  }
0x40: {  	_ =	shalt  }
0x41: {  	_ =	shalt  }
0x42: {  	_ =	shalt  }
0x43: {  	_ =	shalt  }
0x44: {  	_ =	shalt  }
0x45: {  	_ =	shalt  }
0x46: {  	_ =	shalt  }
0x47: {  	_ =	shalt  }
0x48: {  	_ =	shalt  }
0x49: {  	_ =	shalt  }
0x4a: {  	_ =	shalt  }
0x4b: {  	_ =	shalt  }
0x4c: {  	_ =	shalt  }
0x4d: {  	_ =	shalt  }
0x4e: {  	_ =	shalt  }
0x4f: {  	_ =	shalt  }
0x50: {  	_ =	shalt  }
0x51: {  	_ =	shalt  }
0x52: {  	_ =	shalt  }
0x53: {  	_ =	shalt  }
0x54: {  	_ =	shalt  }
0x55: {  	_ =	shalt  }
0x56: {  	_ =	shalt  }
0x57: {  	_ =	shalt  }
0x58: {  	_ =	shalt  }
0x59: {  	_ =	shalt  }
0x5a: {  	_ =	shalt  }
0x5b: {  	_ =	shalt  }
0x5c: {  	_ =	shalt  }
0x5d: {  	_ =	shalt  }
0x5e: {  	_ =	shalt  }
0x5f: {  	_ =	shalt  }
0x60: {  	_ =	shalt  }
0x61: {  	_ =	shalt  }
0x62: {  	_ =	shalt  }
0x63: {  	_ =	shalt  }
0x64: {  	_ =	shalt  }
0x65: {  	_ =	shalt  }
0x66: {  	_ =	shalt  }
0x67: {  	_ =	shalt  }
0x68: {  	_ =	shalt  }
0x69: {  	_ =	shalt  }
0x6a: {  	_ =	shalt  }
0x6b: {  	_ =	shalt  }
0x6c: {  	_ =	shalt  }
0x6d: {  	_ =	shalt  }
0x6e: {  	_ =	shalt  }
0x6f: {  	_ =	shalt  }
0x70: {  	_ =	shalt  }
0x71: {  	_ =	shalt  }
0x72: {  	_ =	shalt  }
0x73: {  	_ =	shalt  }
0x74: {  	_ =	shalt  }
0x75: {  	_ =	shalt  }
0x76: {  	_ =	shalt  }
0x77: {  	_ =	shalt  }
0x78: {  	_ =	shalt  }
0x79: {  	_ =	shalt  }
0x7a: {  	_ =	shalt  }
0x7b: {  	_ =	shalt  }
0x7c: {  	_ =	shalt  }
0x7d: {  	_ =	shalt  }
0x7e: {  	_ =	shalt  }
0x7f: {  	_ =	shalt  }
0x80: {  	_ =	shalt  }
0x81: {  	_ =	shalt  }
0x82: {  	_ =	shalt  }
0x83: {  	_ =	shalt  }
0x84: {  	_ =	shalt  }
0x85: {  	_ =	shalt  }
0x86: {  	_ =	shalt  }
0x87: {  	_ =	shalt  }
.Lfunc_end0:
.L_simem_size_0:
called_computation.1_lowered:
.L_overlay_start_0:
0x88: {  	s2 =	sld [smem:$0x3FD9]  }
0x89: {  	s3 =	sld [smem:$0x3FFE];
	_ =	sdelay $0x1  }
0x8a: {  	s1 =	srdreg.scid  }
0x8b: {  	s0 =	sand.u32 $0x1, s1  }
0x8c: {  	s17 =	sshll.u32 s0, $0xA;
	s2 =	sadd.s32 s3, s2  }
0x8d: {  	s2 =	sadd.s32 s2, s17  }
0x8e: {  	[smem:$0x3FC6] =	sst s2  }
0x8f: {  	_ = 	snop  }
0x90: {  	s2 =	sld [smem:$0x3FD0];
	(tm) =	ssettm $0x1  }
0x91: {  	s18 =	sld [smem:$0x3FFB];
	_ =	sdelay $0x3  }
0x92: {  	_ =	strace s18  }
0x93: {  	s3 =	sld [smem:$0x3FFC];
	_ =	sdelay $0x3  }
0x94: {  	_ =	strace s3  }
0x95: {  	s3 =	sld [smem:$0x3FFD];
	_ =	sdelay $0x3  }
0x96: {  	_ =	strace s3  }
0x97: {  	_ =	strace $0x8FFFFFFF  }
0x98: {  	s19 =	sld [smem:$0x3FDB];
	_ =	sdelay $0x1  }
0x99: {  	s4 =	simm.s32 $_scs_section_size  }
0x9a: {  	s5 =	simm.s32 $_size__tile_overlayer_lowered;
	s6 =	simm.s32 $_tile_overlayer_lowered  }
0x9b: {  	s22 =	simm.s32 $0x1BFF;
	s21 =	sshll.u32 s6, $0x1;
	s3 =	sadd.s32 s4, s19  }
0x9c: {  	s7 =	simm.s32 $0x0;
	s20 =	sshll.u32 s5, $0x1;
	s5 =	sadd.s32 s21, s3  }
0x9d: {  	[timem:s7], [sflag:s22] =	dma.local [hbm:s5], s20  }
0x9e: {  	_ =	swait.ge [sflag:s22], s20  }
0x9f: {  	s4 =	ssub.s32 $0x0, s20;
	[sflag:s22] =	ssyncset.done $0x0  }
0xa0: {  	[sflag:s22] =	ssyncadd.s32 s4;
	_ =	sdelay $0x1  }
0xa1: {  	s23 =	simm.s32 $0x1B8B  }
0xa2: {  	_ =	swait.ge [sflag:s23], $0x1  }
0xa3: {  	[sflag:s23] =	ssyncset.done $0x0  }
0xa4: {  	s25 =	simm.s32 $0x1B8E;
	s24 =	sld [smem:$0x3FFE];
	[sflag:s23] =	ssyncadd.s32 $0xFFFFFFFF  }
0xa5: {  	s26 =	simm.s32 $execute0_lowered;
	[smem:$0x3FD2] =	sst s25  }
0xa6: {  	s5 =	sshll.u32 s26, $0x1;
	_ =	strace $0x80000046;
	[dreg:$0x1] =	wrdreg $0xFFFFFFFF  }
0xa7: {  	s28 =	simm.s32 $_size_execute0_lowered;
	s3 =	sadd.s32 s3, s5;
	[dreg:$0x0] =	wrdreg $0x0  }
0xa8: {  	s5 =	sshll.u32 s28, $0x1;
	[dreg:$0x2] =	wrdreg s3  }
0xa9: {  	[dreg:$0x3] =	wrdreg s5  }
0xaa: {  	[dreg:$0x4] =	wrdreg $0xC0  }
0xab: {  	_ =	task [dreg:s7], $0x5FFFF  }
0xac: {  	[dreg:$0x1] =	wrdreg $0xFFFFFFFF  }
0xad: {  	[dreg:$0x0] =	wrdreg $0x60  }
0xae: {  	[dreg:$0x2] =	wrdreg s24  }
0xaf: {  	[dreg:$0x3] =	wrdreg s2  }
0xb0: {  	[dreg:$0x4] =	wrdreg $0x9  }
0xb1: {  	_ =	task.clear_ibuf [dreg:s7], $0x5FFFF;
	_ =	strace $0x90000046  }
0xb2: {  	s29 =	simm.s32 $0x9;
	_ =	strace $0x80000048  }
0xb3: {  	_ =	swait.ge [sflag:s29], $0x1  }
0xb4: {  	[sflag:s29] =	ssyncadd.s32 $0xFFFFFFFF  }
0xb5: {  	_ =	strace $0x90000048  }
0xb6: {  	_ =	sfence  }
0xb7: {  	s30 =	sld [smem:$0x0];
	_ =	sdelay $0x2  }
0xb8: {  	s31 =	sshll.u32 s1, $0xD;
	s1 =	sshrl.u32 s1, $0x2  }
0xb9: {  	s3 =	sand.u32 $0x4000, s31;
	s1 =	sadd.s32 s1, s30  }
0xba: {  	s0 =	sor.u32 s3, s0;
	s1 =	sshll.u32 s1, $0x11  }
0xbb: {  	s0 =	sor.u32 s1, s0  }
0xbc: {  	s0 =	sadd.s32 $0x8F2B, s0  }
0xbd: {  	[sflag:s0] =	ssyncadd.remote.s32 $0x1  }
0xbe: {  	_ =	sfence.sel $0xFFFF  }
0xbf: {  	[dreg:$0x0] =	wrdreg $0xFFFFFFFF;
	(pc) =	sbr.abs _section_cstart, $3  }
0xc0: {  	[dreg:$0x1] =	wrdreg $0xFFFFFFFF  }
0xc1: {  	_ =	task.clear_ibuf [dreg:s7], $0x2FFFF;
	_ =	strace $0x9FFFFFFF  }
0xc2: {  	(tm) =	ssettm $0x7FFFFFFF  }
0xc3: {  	_ =	shalt  }
tec
execute0_lowered:
.L_overlay_start_1:
0x0: {  	(tag) =	ssettag $0x1  }
0x1: {  	s0 =	srdreg.scid;
	s1 =	rddreg [dreg:$0x0]  }
0x2: {  	s10 =	stileid.u32;
	s4 =	rddreg [dreg:$0x1]  }
0x3: {  	s2 =	simm.s32 $0x0;
	s11 =	simm.s32 $0x80;
	s12 =	simm.s32 $0x640  }
0x4: {  	s13 =	simm.s32 $0x48;
	s14 =	simm.s32 $0xBC40;
	s28 =	simm.s32 $0x320  }
0x5: {  	s29 =	simm.s32 $0xCE40;
	s15 =	simm.s32 $0x3A0;
	s16 =	simm.s32 $0xEE40  }
0x6: {  	s30 =	simm.s32 $0x10040;
	s31 =	simm.s32 $0x468;
	s0 =	sand.u32 $0x1, s0  }
0x7: {  	s3 =	sshll.u32 s10, $0x8;
	[smem:$0x7FF] =	sst s2;
	s21 =	smul.u32 $0x1900, s10  }
0x8: {  	s9 =	sadd.s32 $0xA00, s1;
	s24 =	smul.u32 $0x64000, s10;
	s10 =	simm.s32 $0x5  }
0x9: {  	s5 =	sshll.u32 s0, $0x7;
	s17 =	ssub.s32 $0x2, s0;
	s22 =	smul.u32 $0xC80, s0  }
0xa: {  	_ =	strace $0x80000047;
	s0 =	smul.u32 $0x32000, s0;
	s3 =	sor.u32 s5, s3  }
0xb: {  	s7 =	sshrl.u32 s17, $0x1;
	s26 =	sadd.s32 s24, s4;
	s6 =	smul.u32 $0x19, s3  }
0xc: {  	s24 =	simm.s32 $0x3840;
	s8 =	smul.u32 $0x3200, s3;
	s3 =	sadd.s32 $0xF42E00, s1  }
0xd: {  	s18 =	ssub.s32 s17, s7;
	s0 =	sadd.s32 s0, s26;
	s26 =	simm.s32 $0x148  }
0xe: {  	s17 =	simm.s32 $0x3E8;
	s1 =	smax.u32 s18, $0x1;
	[dreg:$0x9] =	wrdreg s0  }
0xf: {  	s0 =	simm.s32 $0x190;
	s18 =	simm.s32 $0x1;
	s19 =	sadd.s32 s9, s6  }
0x10: {  	s20 =	sshrl.u32 s8, $0x3;
	s6 =	sadd.s32 s21, s9;
	[dreg:$0x8] =	wrdreg s1  }
0x11: {  	s1 =	simm.s32 $0x5840;
	s8 =	simm.s32 $0x9C40;
	s9 =	simm.s32 $0x2D8  }
0x12: {  	s21 =	simm.s32 $0x4;
	[dreg:$0x4] =	wrdreg s19;
	s7 =	sadd.s32 $0x64, s19  }
0x13: {  	s5 =	sadd.s32 s4, s20;
	s25 =	sadd.s32 s22, s6;
	s6 =	simm.s32 $0x210  }
0x14: {  	s4 =	simm.s32 $0x8A40;
	s19 =	simm.s32 $0x2;
	[dreg:$0x5] =	wrdreg s7  }
0x15: {  	s20 =	simm.s32 $0x3;
	s22 =	simm.s32 $0x0;
	[dreg:$0x3] =	wrdreg s25  }
0x16: {  	s23 =	sadd.s32 $0x2EE00, s5;
	s5 =	sadd.s32 $0x30700, s5;
	[dreg:$0xa] =	wrdreg s22  }
0x17: {  	s25 =	simm.s32 $0x2640;
	s7 =	simm.s32 $0x258;
	[dreg:$0x6] =	wrdreg s23  }
0x18: {  	[dreg:$0x7] =	wrdreg s5;
	s23 =	simm.s32 $0xC8;
	s5 =	simm.s32 $0x6A40  }
.LBB2_1:
0x19: {  	s22 =	rddreg [dreg:$0x4]  }
0x1a: {  	[tilespmem:s2], [sflag:$0x5] =	stream.linear.gather [hbm4b:s22+s2], $0x320, $0x38;
	[tilespmem:$0x19640] =	vst v63  }
0x1b: {  	_ =	swait.ge [sflag:s10], $0x320  }
0x1c: {  	[sflag:s10] =	ssyncset.done $0x0  }
0x1d: {  	[sflag:s10] =	ssyncadd.s32 $0xFFFFFCE0  }
0x1e: {  	[tilespmem:s12], [sflag:$0x1] =	stream.indirect.gather [hbm4b:s3+s11], $0x40, s2, s11, $0xb8;
	[tilespmem:$0x19640] =	vst v63  }
0x1f: {  	_ = 	snop  }
0x20: {  	[tilespmem:s25], [sflag:$0x1] =	stream.indirect.gather [hbm4b:s3+s13], $0x40, s11, s13, $0xb8;
	[tilespmem:$0x19640] =	vst v63  }
0x21: {  	_ = 	snop  }
0x22: {  	[tilespmem:s24], [sflag:$0x1] =	stream.indirect.gather [hbm4b:s3+s11], $0x40, s23, s11, $0xb8;
	[tilespmem:$0x19640] =	vst v63  }
0x23: {  	_ = 	snop  }
0x24: {  	[tilespmem:s1], [sflag:$0x1] =	stream.indirect.gather [hbm4b:s3+s13], $0x40, s26, s13, $0xb8;
	[tilespmem:$0x19640] =	vst v63  }
0x25: {  	_ = 	snop  }
0x26: {  	[tilespmem:s5], [sflag:$0x1] =	stream.indirect.gather [hbm4b:s3+s11], $0x40, s0, s11, $0xb8;
	[tilespmem:$0x19640] =	vst v63  }
0x27: {  	_ = 	snop  }
0x28: {  	[tilespmem:s4], [sflag:$0x1] =	stream.indirect.gather [hbm4b:s3+s13], $0x40, s6, s13, $0xb8;
	[tilespmem:$0x19640] =	vst v63  }
0x29: {  	_ = 	snop  }
0x2a: {  	[tilespmem:s8], [sflag:$0x1] =	stream.indirect.gather [hbm4b:s3+s11], $0x40, s7, s11, $0xb8;
	[tilespmem:$0x19640] =	vst v63  }
0x2b: {  	_ = 	snop  }
0x2c: {  	[tilespmem:s14], [sflag:$0x1] =	stream.indirect.gather [hbm4b:s3+s13], $0x40, s9, s13, $0xb8;
	[tilespmem:$0x19640] =	vst v63  }
0x2d: {  	s1 =	rddreg [dreg:$0x5]  }
0x2e: {  	[tilespmem:s28], [sflag:$0x5] =	stream.linear.gather [hbm4b:s1+s2], $0x320, $0x38;
	[tilespmem:$0x19640] =	vst v63  }
0x2f: {  	_ =	swait.ge [sflag:s10], $0x320  }
0x30: {  	[sflag:s10] =	ssyncset.done $0x0  }
0x31: {  	[sflag:s10] =	ssyncadd.s32 $0xFFFFFCE0  }
0x32: {  	[tilespmem:s29], [sflag:$0x2] =	stream.indirect.gather [hbm4b:s3+s11], $0x40, s28, s11, $0xb8;
	[tilespmem:$0x19640] =	vst v63  }
0x33: {  	_ = 	snop  }
0x34: {  	[tilespmem:s16], [sflag:$0x2] =	stream.indirect.gather [hbm4b:s3+s13], $0x40, s15, s13, $0xb8;
	[tilespmem:$0x19640] =	vst v63  }
0x35: {  	_ = 	snop  }
0x36: {  	[tilespmem:s30], [sflag:$0x2] =	stream.indirect.gather [hbm4b:s3+s11], $0x40, s17, s11, $0xb8;
	[tilespmem:$0x19640] =	vst v63  }
0x37: {  	s4 =	simm.s32 $0x12040  }
0x38: {  	[tilespmem:s4], [sflag:$0x2] =	stream.indirect.gather [hbm4b:s3+s13], $0x40, s31, s13, $0xb8;
	[tilespmem:$0x19640] =	vst v63  }
0x39: {  	s5 =	simm.s32 $0x4B0;
	s6 =	simm.s32 $0x13240  }
0x3a: {  	[tilespmem:s6], [sflag:$0x2] =	stream.indirect.gather [hbm4b:s3+s11], $0x40, s5, s11, $0xb8;
	[tilespmem:$0x19640] =	vst v63  }
0x3b: {  	s7 =	simm.s32 $0x530;
	s8 =	simm.s32 $0x15240  }
0x3c: {  	[tilespmem:s8], [sflag:$0x2] =	stream.indirect.gather [hbm4b:s3+s13], $0x40, s7, s13, $0xb8;
	[tilespmem:$0x19640] =	vst v63  }
0x3d: {  	s9 =	simm.s32 $0x578;
	s14 =	simm.s32 $0x16440  }
0x3e: {  	[tilespmem:s14], [sflag:$0x2] =	stream.indirect.gather [hbm4b:s3+s11], $0x40, s9, s11, $0xb8;
	[tilespmem:$0x19640] =	vst v63  }
0x3f: {  	s15 =	simm.s32 $0x5F8;
	s16 =	simm.s32 $0x18440  }
0x40: {  	[tilespmem:s16], [sflag:$0x2] =	stream.indirect.gather [hbm4b:s3+s13], $0x40, s15, s13, $0xb8;
	[tilespmem:$0x19640] =	vst v63  }
0x41: {  	_ =	swait.ge [sflag:s18], $0xC800  }
0x42: {  	[sflag:s18] =	ssyncset.done $0x0  }
0x43: {  	s24 =	rddreg [dreg:$0x9];
	[sflag:s18] =	ssyncadd.s32 $0xFFFF3800  }
0x44: {  	[hbm4b:s24+s2] =	stream.linear.scatter [tilespmem:s12], [sflag:$0x3], $0xC800, $0x38;
	[tilespmem:$0x19640] =	vst v63  }
0x45: {  	_ =	swait.ge [sflag:s19], $0xC800  }
0x46: {  	[sflag:s19] =	ssyncset.done $0x0  }
0x47: {  	s17 =	sadd.s32 $0x1900, s24;
	[sflag:s19] =	ssyncadd.s32 $0xFFFF3800  }
0x48: {  	[hbm4b:s17+s2] =	stream.linear.scatter [tilespmem:s29], [sflag:$0x4], $0xC800, $0x38;
	[tilespmem:$0x19640] =	vst v63  }
0x49: {  	_ =	swait.ge [sflag:s20], $0xC800  }
0x4a: {  	s23 =	rddreg [dreg:$0x3]  }
0x4b: {  	[sflag:s20] =	ssyncset.done $0x0;
	s22 =	sadd.s32 $0x0, s23  }
0x4c: {  	[sflag:s20] =	ssyncadd.s32 $0xFFFF3800;
	s23 =	sadd.s32 $0xC8, s22  }
0x4d: {  	[tilespmem:s2], [sflag:$0x5] =	stream.linear.gather [hbm4b:s23+s2], $0x320, $0x38;
	[tilespmem:$0x19640] =	vst v63  }
0x4e: {  	_ =	swait.ge [sflag:s10], $0x320  }
0x4f: {  	[sflag:s10] =	ssyncset.done $0x0  }
0x50: {  	[sflag:s10] =	ssyncadd.s32 $0xFFFFFCE0  }
0x51: {  	[tilespmem:s12], [sflag:$0x1] =	stream.indirect.gather [hbm4b:s3+s11], $0x40, s2, s11, $0xb8;
	[tilespmem:$0x19640] =	vst v63  }
0x52: {  	_ = 	snop  }
0x53: {  	[tilespmem:s25], [sflag:$0x1] =	stream.indirect.gather [hbm4b:s3+s13], $0x40, s11, s13, $0xb8;
	[tilespmem:$0x19640] =	vst v63  }
0x54: {  	s1 =	simm.s32 $0x3840;
	s16 =	simm.s32 $0xC8  }
0x55: {  	[tilespmem:s1], [sflag:$0x1] =	stream.indirect.gather [hbm4b:s3+s11], $0x40, s16, s11, $0xb8;
	[tilespmem:$0x19640] =	vst v63  }
0x56: {  	s0 =	simm.s32 $0x5840;
	s14 =	simm.s32 $0x148  }
0x57: {  	[tilespmem:s0], [sflag:$0x1] =	stream.indirect.gather [hbm4b:s3+s13], $0x40, s14, s13, $0xb8;
	[tilespmem:$0x19640] =	vst v63  }
0x58: {  	s4 =	simm.s32 $0x190;
	s5 =	simm.s32 $0x6A40  }
0x59: {  	[tilespmem:s5], [sflag:$0x1] =	stream.indirect.gather [hbm4b:s3+s11], $0x40, s4, s11, $0xb8;
	[tilespmem:$0x19640] =	vst v63  }
0x5a: {  	s6 =	simm.s32 $0x210;
	s7 =	simm.s32 $0x8A40  }
0x5b: {  	[tilespmem:s7], [sflag:$0x1] =	stream.indirect.gather [hbm4b:s3+s13], $0x40, s6, s13, $0xb8;
	[tilespmem:$0x19640] =	vst v63  }
0x5c: {  	s8 =	simm.s32 $0x258;
	s9 =	simm.s32 $0x9C40  }
0x5d: {  	[tilespmem:s9], [sflag:$0x1] =	stream.indirect.gather [hbm4b:s3+s11], $0x40, s8, s11, $0xb8;
	[tilespmem:$0x19640] =	vst v63  }
0x5e: {  	s30 =	simm.s32 $0x2D8;
	s15 =	simm.s32 $0xBC40  }
0x5f: {  	[tilespmem:s15], [sflag:$0x1] =	stream.indirect.gather [hbm4b:s3+s13], $0x40, s30, s13, $0xb8;
	[tilespmem:$0x19640] =	vst v63  }
0x60: {  	_ =	swait.ge [sflag:s21], $0xC800  }
0x61: {  	[sflag:s21] =	ssyncset.done $0x0  }
0x62: {  	s22 =	sadd.s32 $0x12C, s22;
	[sflag:s21] =	ssyncadd.s32 $0xFFFF3800  }
0x63: {  	[tilespmem:s28], [sflag:$0x5] =	stream.linear.gather [hbm4b:s22+s2], $0x320, $0x38;
	[tilespmem:$0x19640] =	vst v63  }
0x64: {  	s26 =	simm.s32 $0xEE40;
	s31 =	simm.s32 $0x3A0;
	_ =	swait.ge [sflag:s10], $0x320  }
0x65: {  	s17 =	simm.s32 $0x468;
	s23 =	simm.s32 $0x16440;
	[sflag:s10] =	ssyncset.done $0x0  }
0x66: {  	s25 =	simm.s32 $0x578;
	s16 =	simm.s32 $0x3A0;
	[sflag:s10] =	ssyncadd.s32 $0xFFFFFCE0  }
0x67: {  	[tilespmem:s29], [sflag:$0x2] =	stream.indirect.gather [hbm4b:s3+s11], $0x40, s28, s11, $0xb8;
	[tilespmem:$0x19640] =	vst v63  }
0x68: {  	s1 =	simm.s32 $0x468;
	s14 =	simm.s32 $0xBC40;
	s0 =	simm.s32 $0x12040  }
0x69: {  	[tilespmem:s26], [sflag:$0x2] =	stream.indirect.gather [hbm4b:s3+s13], $0x40, s31, s13, $0xb8;
	[tilespmem:$0x19640] =	vst v63  }
0x6a: {  	s5 =	simm.s32 $0x4B0;
	s6 =	simm.s32 $0x3E8;
	s7 =	simm.s32 $0x10040  }
0x6b: {  	[tilespmem:s7], [sflag:$0x2] =	stream.indirect.gather [hbm4b:s3+s11], $0x40, s6, s11, $0xb8;
	[tilespmem:$0x19640] =	vst v63  }
0x6c: {  	s4 =	simm.s32 $0x530;
	s8 =	simm.s32 $0x12040;
	s9 =	simm.s32 $0x13240  }
0x6d: {  	[tilespmem:s8], [sflag:$0x2] =	stream.indirect.gather [hbm4b:s3+s13], $0x40, s17, s13, $0xb8;
	[tilespmem:$0x19640] =	vst v63  }
0x6e: {  	s30 =	simm.s32 $0xEE40;
	s15 =	simm.s32 $0x4B0;
	s22 =	simm.s32 $0x530  }
0x6f: {  	[tilespmem:s9], [sflag:$0x2] =	stream.indirect.gather [hbm4b:s3+s11], $0x40, s15, s11, $0xb8;
	[tilespmem:$0x19640] =	vst v63  }
0x70: {  	s31 =	simm.s32 $0x3E8;
	s26 =	simm.s32 $0x10040;
	s17 =	simm.s32 $0x15240  }
0x71: {  	[tilespmem:s17], [sflag:$0x2] =	stream.indirect.gather [hbm4b:s3+s13], $0x40, s22, s13, $0xb8;
	[tilespmem:$0x19640] =	vst v63  }
0x72: {  	s6 =	simm.s32 $0x13240;
	s7 =	simm.s32 $0x15240;
	s8 =	simm.s32 $0x578  }
0x73: {  	[tilespmem:s23], [sflag:$0x2] =	stream.indirect.gather [hbm4b:s3+s11], $0x40, s25, s11, $0xb8;
	[tilespmem:$0x19640] =	vst v63  }
0x74: {  	s9 =	simm.s32 $0x16440;
	s22 =	simm.s32 $0xC8;
	s23 =	sadd.s32 $0x3200, s24  }
.LBB2_2:
0x75: {  	s24 =	simm.s32 $0x5F8;
	s25 =	simm.s32 $0x18440  }
0x76: {  	[tilespmem:s25], [sflag:$0x2] =	stream.indirect.gather [hbm4b:s3+s13], $0x40, s24, s13, $0xb8;
	[tilespmem:$0x19640] =	vst v63  }
0x77: {  	_ =	swait.ge [sflag:s18], $0xC800  }
0x78: {  	[sflag:s18] =	ssyncset.done $0x0  }
0x79: {  	[sflag:s18] =	ssyncadd.s32 $0xFFFF3800  }
0x7a: {  	[hbm4b:s23+s2] =	stream.linear.scatter [tilespmem:s12], [sflag:$0x3], $0xC800, $0x38;
	[tilespmem:$0x19640] =	vst v63  }
0x7b: {  	_ =	swait.ge [sflag:s19], $0xC800  }
0x7c: {  	[sflag:s19] =	ssyncset.done $0x0  }
0x7d: {  	s17 =	sadd.s32 $0x1900, s23;
	[sflag:s19] =	ssyncadd.s32 $0xFFFF3800  }
0x7e: {  	[hbm4b:s17+s2] =	stream.linear.scatter [tilespmem:s29], [sflag:$0x4], $0xC800, $0x38;
	[tilespmem:$0x19640] =	vst v63  }
0x7f: {  	_ =	swait.ge [sflag:s20], $0xC800  }
0x80: {  	s24 =	smov.u32 s22;
	s15 =	rddreg [dreg:$0x3]  }
0x81: {  	[sflag:s20] =	ssyncset.done $0x0;
	s24 =	sadd.s32 s24, s15  }
0x82: {  	[sflag:s20] =	ssyncadd.s32 $0xFFFF3800;
	s25 =	sadd.s32 $0xC8, s24  }
0x83: {  	[tilespmem:s2], [sflag:$0x5] =	stream.linear.gather [hbm4b:s25+s2], $0x320, $0x38;
	[tilespmem:$0x19640] =	vst v63  }
0x84: {  	_ =	swait.ge [sflag:s10], $0x320  }
0x85: {  	[sflag:s10] =	ssyncset.done $0x0  }
0x86: {  	[sflag:s10] =	ssyncadd.s32 $0xFFFFFCE0  }
0x87: {  	[tilespmem:s12], [sflag:$0x1] =	stream.indirect.gather [hbm4b:s3+s11], $0x40, s2, s11, $0xb8;
	[tilespmem:$0x19640] =	vst v63  }
0x88: {  	s25 =	simm.s32 $0x2640  }
0x89: {  	[tilespmem:s25], [sflag:$0x1] =	stream.indirect.gather [hbm4b:s3+s13], $0x40, s11, s13, $0xb8;
	[tilespmem:$0x19640] =	vst v63  }
0x8a: {  	s17 =	simm.s32 $0xC8;
	s15 =	simm.s32 $0x3840  }
0x8b: {  	[tilespmem:s15], [sflag:$0x1] =	stream.indirect.gather [hbm4b:s3+s11], $0x40, s17, s11, $0xb8;
	[tilespmem:$0x19640] =	vst v63  }
0x8c: {  	s15 =	simm.s32 $0x5840;
	s17 =	simm.s32 $0x148  }
0x8d: {  	[tilespmem:s15], [sflag:$0x1] =	stream.indirect.gather [hbm4b:s3+s13], $0x40, s17, s13, $0xb8;
	[tilespmem:$0x19640] =	vst v63  }
0x8e: {  	s15 =	simm.s32 $0x190;
	s17 =	simm.s32 $0x6A40  }
0x8f: {  	[tilespmem:s17], [sflag:$0x1] =	stream.indirect.gather [hbm4b:s3+s11], $0x40, s15, s11, $0xb8;
	[tilespmem:$0x19640] =	vst v63  }
0x90: {  	s15 =	simm.s32 $0x210;
	s17 =	simm.s32 $0x8A40  }
0x91: {  	[tilespmem:s17], [sflag:$0x1] =	stream.indirect.gather [hbm4b:s3+s13], $0x40, s15, s13, $0xb8;
	[tilespmem:$0x19640] =	vst v63  }
0x92: {  	s15 =	simm.s32 $0x258;
	s17 =	simm.s32 $0x9C40  }
0x93: {  	[tilespmem:s17], [sflag:$0x1] =	stream.indirect.gather [hbm4b:s3+s11], $0x40, s15, s11, $0xb8;
	[tilespmem:$0x19640] =	vst v63  }
0x94: {  	s17 =	simm.s32 $0x2D8  }
0x95: {  	[tilespmem:s14], [sflag:$0x1] =	stream.indirect.gather [hbm4b:s3+s13], $0x40, s17, s13, $0xb8;
	[tilespmem:$0x19640] =	vst v63  }
0x96: {  	_ =	swait.ge [sflag:s21], $0xC800  }
0x97: {  	[sflag:s21] =	ssyncset.done $0x0  }
0x98: {  	s24 =	sadd.s32 $0x12C, s24;
	[sflag:s21] =	ssyncadd.s32 $0xFFFF3800  }
0x99: {  	[tilespmem:s28], [sflag:$0x5] =	stream.linear.gather [hbm4b:s24+s2], $0x320, $0x38;
	[tilespmem:$0x19640] =	vst v63  }
0x9a: {  	_ =	swait.ge [sflag:s10], $0x320  }
0x9b: {  	[sflag:s10] =	ssyncset.done $0x0  }
0x9c: {  	[sflag:s10] =	ssyncadd.s32 $0xFFFFFCE0  }
0x9d: {  	[tilespmem:s29], [sflag:$0x2] =	stream.indirect.gather [hbm4b:s3+s11], $0x40, s28, s11, $0xb8;
	[tilespmem:$0x19640] =	vst v63  }
0x9e: {  	_ = 	snop  }
0x9f: {  	[tilespmem:s30], [sflag:$0x2] =	stream.indirect.gather [hbm4b:s3+s13], $0x40, s16, s13, $0xb8;
	[tilespmem:$0x19640] =	vst v63  }
0xa0: {  	_ = 	snop  }
0xa1: {  	[tilespmem:s26], [sflag:$0x2] =	stream.indirect.gather [hbm4b:s3+s11], $0x40, s31, s11, $0xb8;
	[tilespmem:$0x19640] =	vst v63  }
0xa2: {  	_ = 	snop  }
0xa3: {  	[tilespmem:s0], [sflag:$0x2] =	stream.indirect.gather [hbm4b:s3+s13], $0x40, s1, s13, $0xb8;
	[tilespmem:$0x19640] =	vst v63  }
0xa4: {  	p0 =	sne.s32 s22, $0xAF0  }
0xa5: {  	[tilespmem:s6], [sflag:$0x2] =	stream.indirect.gather [hbm4b:s3+s11], $0x40, s5, s11, $0xb8;
	[tilespmem:$0x19640] =	vst v63  }
.Ltmp0:
0xa6: {  	_ = 	snop;
	(pc) =	sbr.rel @p0 .LBB2_2-.Ltmp0, $4  }
0xa7: {  	_ = 	snop  }
0xa8: {  	[tilespmem:s7], [sflag:$0x2] =	stream.indirect.gather [hbm4b:s3+s13], $0x40, s4, s13, $0xb8;
	[tilespmem:$0x19640] =	vst v63  }
0xa9: {  	s22 =	sadd.s32 $0xC8, s22;
	s23 =	sadd.s32 $0x3200, s23  }
0xaa: {  	[tilespmem:s9], [sflag:$0x2] =	stream.indirect.gather [hbm4b:s3+s11], $0x40, s8, s11, $0xb8;
	[tilespmem:$0x19640] =	vst v63  }
0xab: {  	s0 =	simm.s32 $0x5F8;
	s1 =	simm.s32 $0x18440  }
0xac: {  	[tilespmem:s1], [sflag:$0x2] =	stream.indirect.gather [hbm4b:s3+s13], $0x40, s0, s13, $0xb8;
	[tilespmem:$0x19640] =	vst v63  }
0xad: {  	_ =	swait.ge [sflag:s18], $0xC800  }
0xae: {  	[sflag:s18] =	ssyncset.done $0x0  }
0xaf: {  	s22 =	rddreg [dreg:$0x6];
	[sflag:s18] =	ssyncadd.s32 $0xFFFF3800  }
0xb0: {  	[hbm4b:s22+s2] =	stream.linear.scatter [tilespmem:s12], [sflag:$0x3], $0xC800, $0x38;
	[tilespmem:$0x19640] =	vst v63  }
0xb1: {  	_ =	swait.ge [sflag:s19], $0xC800  }
0xb2: {  	[sflag:s19] =	ssyncset.done $0x0  }
0xb3: {  	s23 =	rddreg [dreg:$0x7];
	[sflag:s19] =	ssyncadd.s32 $0xFFFF3800  }
0xb4: {  	[hbm4b:s23+s2] =	stream.linear.scatter [tilespmem:s29], [sflag:$0x4], $0xC800, $0x38;
	[tilespmem:$0x19640] =	vst v63  }
0xb5: {  	_ =	swait.ge [sflag:s20], $0xC800  }
0xb6: {  	[sflag:s20] =	ssyncset.done $0x0  }
0xb7: {  	[sflag:s20] =	ssyncadd.s32 $0xFFFF3800  }
0xb8: {  	s5 =	simm.s32 $0x6A40;
	_ =	swait.ge [sflag:s21], $0xC800  }
0xb9: {  	s6 =	simm.s32 $0x210;
	s4 =	simm.s32 $0x8A40;
	s24 =	rddreg [dreg:$0xa]  }
0xba: {  	s7 =	simm.s32 $0x258;
	s26 =	rddreg [dreg:$0x8];
	s0 =	sadd.s32 $0x1, s24  }
0xbb: {  	s8 =	simm.s32 $0x9C40;
	s9 =	simm.s32 $0x2D8;
	p0 =	sne.s32 s0, s26  }
.Ltmp1:
0xbc: {  	s14 =	simm.s32 $0xBC40;
	s15 =	simm.s32 $0x3A0;
	(pc) =	sbr.rel @p0 .LBB2_1-.Ltmp1, $4  }
0xbd: {  	s16 =	simm.s32 $0xEE40;
	s17 =	simm.s32 $0x3E8;
	s30 =	simm.s32 $0x10040  }
0xbe: {  	s31 =	simm.s32 $0x468;
	s1 =	simm.s32 $0x5840;
	[sflag:s21] =	ssyncset.done $0x0  }
0xbf: {  	s23 =	simm.s32 $0xC8;
	[sflag:s21] =	ssyncadd.s32 $0xFFFF3800;
	s24 =	simm.s32 $0x3840  }
0xc0: {  	[dreg:$0xa] =	wrdreg s0;
	s26 =	simm.s32 $0x148;
	s0 =	simm.s32 $0x190  }
0xc1: {  	_ =	sfence.sel $0x180000  }
0xc2: {  	[bflag:$0x0] =	sbarrier.arrive $0xFFFF  }
0xc3: {  	_ =	strace $0x90000047  }
0xc4: {  	s0 =	stileid.u32;
	[bflag:$0x2] =	sbarrier.arrive $0xFFFF  }
0xc5: {  	p0 =	sne.s32 s0, $0x0;
	s0 =	rddreg [dreg:$0x2]  }
0xc6: {  	s0 =	sadd.s32 @!p0 $0x100000, s0  }
0xc7: {  	[sflag:s0] =	ssyncadd.tile.s32 @!p0 $0x1;
	_ =	shalt  }
.Lfunc_end2:
_tile_overlayer_lowered:
.L_overlay_start_2:
0xc8: {  	(tag) =	ssettag $0x2  }
0xc9: {  	s0 =	rddreg [dreg:$0x0];
	s2 =	stileid.u32  }
0xca: {  	s1 =	rddreg [dreg:$0x1];
	p0 =	sne.s32 s2, $0x0  }
0xcb: {  	s3 =	rddreg [dreg:$0x2];
	[bflag:$0x3] =	sbarrier.arrive $0xFFFF;
	s2 =	simm.s32 @!p0 $0x1C05  }
0xcc: {  	[timem:s3], [sflag:s2] =	dma.local @!p0 [hbm:s0], s1  }
0xcd: {  	s0 =	simm.s32 @!p0 $0x5  }
0xce: {  	_ =	swait.ge @!p0 [sflag:s0], s1  }
0xcf: {  	s1 =	ssub.s32 @!p0 $0x0, s1;
	[sflag:s0] =	ssyncset.done @!p0 $0x0  }
0xd0: {  	[sflag:s0] =	ssyncadd.s32 @!p0 s1  }
0xd1: {  	[bflag:$0x3] =	sbarrier.arrive $0xFFFF  }
0xd2: {  	_ =	shalt  }

// kernel: sparse-core-data-format-call.cloned.1.call-start
scs
called_computation_lowered:
.L_overlay_start_0:
0x0: {  	s2 =	sld [smem:$0x3FD9]  }
0x1: {  	s3 =	sld [smem:$0x3FFE];
	_ =	sdelay $0x1  }
0x2: {  	s1 =	srdreg.scid  }
0x3: {  	s0 =	sand.u32 $0x1, s1  }
0x4: {  	s18 =	sshll.u32 s0, $0xA;
	s2 =	sadd.s32 s3, s2  }
0x5: {  	s2 =	sadd.s32 s2, s18  }
0x6: {  	[smem:$0x3FC6] =	sst s2  }
0x7: {  	_ = 	snop  }
0x8: {  	s2 =	sld [smem:$0x3FD0];
	(tm) =	ssettm $0x1  }
0x9: {  	s19 =	sld [smem:$0x3FFB];
	_ =	sdelay $0x3  }
0xa: {  	_ =	strace s19  }
0xb: {  	s3 =	sld [smem:$0x3FFC];
	_ =	sdelay $0x3  }
0xc: {  	_ =	strace s3  }
0xd: {  	s3 =	sld [smem:$0x3FFD];
	_ =	sdelay $0x3  }
0xe: {  	_ =	strace s3  }
0xf: {  	_ =	strace $0x8FFFFFFF  }
0x10: {  	s20 =	sld [smem:$0x3FDB];
	_ =	sdelay $0x1  }
0x11: {  	s4 =	simm.s32 $_scs_section_size  }
0x12: {  	s5 =	simm.s32 $_size__tile_overlayer_lowered;
	s6 =	simm.s32 $_tile_overlayer_lowered  }
0x13: {  	s23 =	simm.s32 $0x1BFF;
	s22 =	sshll.u32 s6, $0x1;
	s3 =	sadd.s32 s4, s20  }
0x14: {  	s7 =	simm.s32 $0x0;
	s21 =	sshll.u32 s5, $0x1;
	s5 =	sadd.s32 s22, s3  }
0x15: {  	[timem:s7], [sflag:s23] =	dma.local [hbm:s5], s21  }
0x16: {  	_ =	swait.ge [sflag:s23], s21  }
0x17: {  	s4 =	ssub.s32 $0x0, s21;
	[sflag:s23] =	ssyncset.done $0x0  }
0x18: {  	[sflag:s23] =	ssyncadd.s32 s4;
	_ =	sdelay $0x1  }
0x19: {  	s24 =	simm.s32 $0x1B8B  }
0x1a: {  	_ =	swait.ge [sflag:s24], $0x1  }
0x1b: {  	[sflag:s24] =	ssyncset.done $0x0  }
0x1c: {  	s26 =	simm.s32 $0x1B8E;
	s25 =	sld [smem:$0x3FFE];
	[sflag:s24] =	ssyncadd.s32 $0xFFFFFFFF  }
0x1d: {  	s27 =	simm.s32 $execute0_lowered;
	[smem:$0x3FD2] =	sst s26  }
0x1e: {  	s5 =	sshll.u32 s27, $0x1;
	_ =	strace $0x80000049;
	[dreg:$0x1] =	wrdreg $0xFFFFFFFF  }
0x1f: {  	s28 =	simm.s32 $_size_execute0_lowered;
	s3 =	sadd.s32 s3, s5;
	[dreg:$0x0] =	wrdreg $0x0  }
0x20: {  	s5 =	sshll.u32 s28, $0x1;
	[dreg:$0x2] =	wrdreg s3  }
0x21: {  	[dreg:$0x3] =	wrdreg s5  }
0x22: {  	[dreg:$0x4] =	wrdreg $0xC0  }
0x23: {  	_ =	task [dreg:s7], $0x5FFFF  }
0x24: {  	[dreg:$0x1] =	wrdreg $0xFFFFFFFF  }
0x25: {  	[dreg:$0x0] =	wrdreg $0x60  }
0x26: {  	[dreg:$0x2] =	wrdreg s25  }
0x27: {  	[dreg:$0x3] =	wrdreg s2  }
0x28: {  	[dreg:$0x4] =	wrdreg $0x9  }
0x29: {  	_ =	task.clear_ibuf [dreg:s7], $0x5FFFF;
	_ =	strace $0x90000049  }
0x2a: {  	s29 =	simm.s32 $0x9;
	_ =	strace $0x8000004B  }
0x2b: {  	_ =	swait.ge [sflag:s29], $0x1  }
0x2c: {  	[sflag:s29] =	ssyncadd.s32 $0xFFFFFFFF  }
0x2d: {  	_ =	strace $0x9000004B  }
0x2e: {  	_ =	sfence  }
0x2f: {  	s30 =	sld [smem:$0x0];
	_ =	sdelay $0x2  }
0x30: {  	s31 =	sshll.u32 s1, $0xD;
	s1 =	sshrl.u32 s1, $0x2  }
0x31: {  	s3 =	sand.u32 $0x4000, s31;
	s1 =	sadd.s32 s1, s30  }
0x32: {  	s0 =	sor.u32 s3, s0;
	s1 =	sshll.u32 s1, $0x11  }
0x33: {  	s0 =	sor.u32 s1, s0  }
0x34: {  	s0 =	sadd.s32 $0x8F2B, s0  }
0x35: {  	[sflag:s0] =	ssyncadd.remote.s32 $0x1  }
0x36: {  	_ =	sfence.sel $0xFFFF  }
0x37: {  	[dreg:$0x0] =	wrdreg $0xFFFFFFFF;
	(pc) =	sbr.abs _section_cstart, $3  }
0x38: {  	[dreg:$0x1] =	wrdreg $0xFFFFFFFF  }
0x39: {  	_ =	task.clear_ibuf [dreg:s7], $0x2FFFF;
	_ =	strace $0x9FFFFFFF  }
0x3a: {  	(tm) =	ssettm $0x7FFFFFFF  }
0x3b: {  	_ =	shalt  }
tec
execute0_lowered:
.L_overlay_start_1:
0x0: {  	(tag) =	ssettag $0x1  }
0x1: {  	s0 =	srdreg.scid  }
0x2: {  	s1 =	sshll.u32 s0, $0x4  }
0x3: {  	s0 =	stileid.u32;
	s1 =	sand.u32 $0x10, s1  }
0x4: {  	s1 =	sor.u32 s0, s1  }
0x5: {  	s6 =	rddreg [dreg:$0x0];
	s4 =	simm.s32 $0x1;
	s2 =	sshll.u32 s1, $0x7  }
0x6: {  	s7 =	simm.s32 $0x2;
	s12 =	simm.s32 $0x0;
	s1 =	ssub.s32 $0x1000, s2  }
0x7: {  	s8 =	simm.s32 $0x8000;
	s13 =	simm.s32 $0x0;
	s3 =	sand.u32 $0xF80, s1  }
0x8: {  	s9 =	simm.s32 $0x0;
	s5 =	sshrl.u32 s1, $0xC;
	p0 =	sne.s32 s3, $0x0  }
.Ltmp0:
0x9: {  	s1 =	rddreg [dreg:$0x2];
	s4 =	simm.s32 @!p0 $0x0;
	(pc) =	sbr.rel .LBB1_1-.Ltmp0, $4  }
0xa: {  	s11 =	simm.s32 $0x0;
	s3 =	rddreg [dreg:$0x1];
	s5 =	sadd.s32 s4, s5  }
0xb: {  	_ =	strace $0x8000004A;
	s4 =	simm.s32 $0x1;
	s5 =	smul.u32 $0xC8, s5  }
0xc: {  	s6 =	sadd.s32 $0xA00, s6;
	s10 =	smov.u32 s2;
	[sflag:s4] =	ssyncpa.u1 $0x0  }
0xd: {  	p0 =	por $0x0, $0x0;
	[sflag:s7] =	ssyncpa.u1 $0x0;
	s7 =	sor.u32 $0x1, s5  }
.LBB1_4:
0xe: {  	s16 =	sshll.u32 s13, $0x3;
	s17 =	sand.u32 $0x78, s13  }
0xf: {  	s30 =	sand.u32 $0x7E00, s13;
	s12 =	sshll.u32 s12, $0xF;
	s16 =	sand.u32 $0xC00, s16  }
0x10: {  	[tilespmem:s15+$0x810 ss:$0x81] =	vst.msk $0xffff, v2;
	s31 =	sand.u32 $0x7, s13;
	s16 =	sor.u32 s17, s16;
	s17 =	sadd.s32 s3, s30  }
0x11: {  	[tilespmem:s15+$0x1020 ss:$0x81] =	vst.msk $0xffff, v0;
	s13 =	sshll.u32 s31, $0x12;
	s12 =	sadd.s32 s12, s17;
	s16 =	sshrl.u32 s16, $0x3  }
0x12: {  	[tilespmem:s15+$0x0 ss:$0x81] =	vst.msk $0xffff, v1;
	s13 =	sor.u32 $0x400, s13;
	s12 =	sadd.s32 s16, s12  }
0x13: {  	[hbm4b:s12+s13] =	stream.strided.scatter [tilespmem:s14], [sflag:$0x2], $0x2000, s8, s13, $0x20;
	[tilespmem:$0x8080] =	vst v63  }
.LBB1_5:
0x14: {  	s14 =	sadd.s32 $0x1, s9  }
0x15: {  	s12 =	sadd.s32 $0x1000, s10;
	s16 =	smov.u32 s10;
	p2 =	sgt.s32 s14, $0xC7  }
0x16: {  	s16 =	smov.u32 @p2 s12  }
0x17: {  	s14 =	simm.s32 @p2 $0x0;
	p2 =	sgt.s32 s16, $0xFFF  }
0x18: {  	s16 =	smov.u32 @p2 s2;
	p2 =	sne.s32 s11, s7  }
.Ltmp1:
0x19: {  	p1 =	slt.u32 s11, $0x2;
	(pc) =	sbr.rel @!p2 .LBB1_6-.Ltmp1, $4  }
0x1a: {  	s15 =	simm.s32 @!p1 $0x2  }
0x1b: {  	s13 =	smov.u32 s10;
	p0 =	por !p0, !p0;
	_ =	swait.ge @!p1 [sflag:s15], $0x2000  }
0x1c: {  	s12 =	smov.u32 s9;
	[sflag:s15] =	ssyncset.done @!p1 $0x0;
	s9 =	smov.u32 s14  }
0x1d: {  	s11 =	sadd.s32 $0x1, s11;
	[sflag:s15] =	ssyncadd.s32 @!p1 $0xFFFFE000;
	s10 =	smov.u32 s16  }
.LBB1_1:
0x1e: {  	p1 =	sge.u32 s11, s5  }
0x1f: {  	s14 =	sand.u32 @!p1 $0x1FFFFFF, s9  }
0x20: {  	s15 =	smulhi.u32 @!p1 $0x147AE15, s14;
	_ =	sdelay $0x1  }
0x21: {  	s15 =	smul.u32 @!p1 $0xC8, s15  }
0x22: {  	s16 =	sxor.u32 @!p1 $0xFFFFFFFF, s11;
	s17 =	smul.u32 @!p1 $0xC80, s10  }
0x23: {  	s31 =	sadd.s32 $0xFFFFFFFF, s11;
	s16 =	sshll.u32 @!p1 s16, $0xD;
	s14 =	ssub.s32 @!p1 s14, s15  }
0x24: {  	s15 =	sand.u32 @!p1 $0x2000, s16;
	s16 =	sadd.s32 @!p1 s6, s17;
	s14 =	sshll.u32 @!p1 s14, $0x4  }
0x25: {  	s17 =	simm.s32 @!p1 $0x6400;
	s14 =	sadd.s32 @!p1 s14, s16;
	s16 =	simm.s32 @!p1 $0x40  }
0x26: {  	[tilespmem:s15], [sflag:$0x1] =	stream.strided.gather @!p1 [hbm4b:s14+s16], $0x2000, s17, s16, $0x38;
	[tilespmem:$0x8080] =	vst v63  }
0x27: {  	p1 =	sge.u32 s31, s5  }
.Ltmp2:
0x28: {  	_ = 	snop;
	(pc) =	sbr.rel @p1 .LBB1_5-.Ltmp2, $1  }
0x29: {  	_ =	sdelay $0x3  }
0x2a: {  	s14 =	simm.s32 $0x1  }
0x2b: {  	_ =	swait.ge [sflag:s4], $0x2000;
	s14 =	simm.s32 @!p0 $0x0  }
0x2c: {  	[sflag:s4] =	ssyncset.done $0x0;
	s15 =	sshll.u32 s14, $0xD  }
0x2d: {  	[sflag:s4] =	ssyncadd.s32 $0xFFFFE000;
	s18 =	sor.u32 $0x20, s15  }
0x2e: {  	s14 =	smul.u32 $0x8100, s14;
	v3 =	vld [tilespmem:s18+$0x10]  }
0x2f: {  	s30 =	sand.u32 $0x1, s11;
	v2 =	vld [tilespmem:s18+$0xFFFFFFF0]  }
0x30: {  	s15 =	smul.u32 $0x8100, s30;
	s14 =	sshrl.u32 s14, $0x2;
	v0 =	vld [tilespmem:s18+$0x0]  }
0x31: {  	v1 =	vld [tilespmem:s18+$0xFFFFFFE0];
	s16 =	sor.u32 $0x4000, s14  }
0x32: {  	s31 =	sshrl.u32 s15, $0x2;
	s15 =	sadd.s32 $0x0, s16  }
0x33: {  	s17 =	simm.s32 $0x4;
	s18 =	sadd.s32 $0x40, s18;
	s14 =	sor.u32 $0x4000, s31;
	[tilespmem:s15+$0x1830 ss:$0x81] =	vst.msk $0xffff, v3  }
.LBB1_3:
0x34: {  	v3 =	vld [tilespmem:s18+$0x10];
	p1 =	sne.s32 s17, $0x1FC;
	[tilespmem:s15+$0x810 ss:$0x81] =	vst.msk $0xffff, v2;
	s19 =	smov.u32 s17;
	s17 =	sadd.s32 $0x4, s17  }
.Ltmp3:
0x35: {  	v2 =	vld [tilespmem:s18+$0xFFFFFFF0];
	[tilespmem:s15+$0x1020 ss:$0x81] =	vst.msk $0xffff, v0;
	(pc) =	sbr.rel @p1 .LBB1_3-.Ltmp3, $4  }
0x36: {  	v0 =	vld [tilespmem:s18+$0x0];
	[tilespmem:s15+$0x0 ss:$0x81] =	vst.msk $0xffff, v1  }
0x37: {  	s15 =	sshra.s32 s19, $0x2;
	v1 =	vld [tilespmem:s18+$0xFFFFFFE0]  }
0x38: {  	s15 =	sadd.s32 s15, s16  }
0x39: {  	s18 =	sadd.s32 $0x40, s18;
	[tilespmem:s15+$0x1830 ss:$0x81] =	vst.msk $0xffff, v3  }
.Ltmp4:
0x3a: {  	_ = 	snop;
	(pc) =	sbr.rel .LBB1_4-.Ltmp4, $1  }
0x3b: {  	_ =	sdelay $0x3  }
.LBB1_6:
0x3c: {  	_ =	sfence.sel $0x180000  }
0x3d: {  	s2 =	simm.s32 $0x1;
	[bflag:$0x0] =	sbarrier.arrive $0xFFFF  }
0x3e: {  	s31 =	simm.s32 $0x2;
	[sflag:s2] =	ssyncpa.u1 $0x1  }
0x3f: {  	[sflag:s31] =	ssyncpa.u1 $0x1  }
0x40: {  	p0 =	sne.s32 s0, $0x0;
	_ =	strace $0x9000004A  }
0x41: {  	s0 =	sadd.s32 @!p0 $0x100000, s1;
	[bflag:$0x2] =	sbarrier.arrive $0xFFFF  }
0x42: {  	[sflag:s0] =	ssyncadd.tile.s32 @!p0 $0x1;
	_ =	shalt  }
.Lfunc_end1:
_tile_overlayer_lowered:
.L_overlay_start_2:
0x43: {  	(tag) =	ssettag $0x2  }
0x44: {  	s0 =	rddreg [dreg:$0x0];
	s2 =	stileid.u32  }
0x45: {  	s1 =	rddreg [dreg:$0x1];
	p0 =	sne.s32 s2, $0x0  }
0x46: {  	s3 =	rddreg [dreg:$0x2];
	[bflag:$0x3] =	sbarrier.arrive $0xFFFF;
	s2 =	simm.s32 @!p0 $0x1C01  }
0x47: {  	[timem:s3], [sflag:s2] =	dma.local @!p0 [hbm:s0], s1  }
0x48: {  	s0 =	simm.s32 @!p0 $0x1  }
0x49: {  	_ =	swait.ge @!p0 [sflag:s0], s1  }
0x4a: {  	s1 =	ssub.s32 @!p0 $0x0, s1;
	[sflag:s0] =	ssyncset.done @!p0 $0x0  }
0x4b: {  	[sflag:s0] =	ssyncadd.s32 @!p0 s1  }
0x4c: {  	[bflag:$0x3] =	sbarrier.arrive $0xFFFF  }
0x4d: {  	_ =	shalt  }

</sc_bundles>
